<compile_context>
chip_gen: v7x
topology: tpu7x:2x2x1
jax: 0.10.2.dev20260603
libtpu: 0.0.44.dev20260713+nightly
codegen_flags: <defaults>
</compile_context>

<pallas_src>
import functools

import jax
import jax.numpy as jnp
from jax import lax
from jax.experimental import pallas as pl
from jax.experimental.pallas import tpu as pltpu
from jax.experimental.pallas import tpu_sc as plsc

N = 10000
EDG = 320000
D = 128
G = 16
NC, NS = 2, 16
NW = NC * NS
CHUNK = 128
NP = 10240
CPT = 80
NCH = NW * CPT
EP = NCH * CHUNK
XCH = 2
SEG = 40
EROWS = 2
CHUNK_E = EROWS * CHUNK
NCHE = EP // CHUNK_E
CPTE = NCHE // NW
RPT = NP // NS
RBLK = 512
GRID = NP // RBLK


def _sc_mesh():
    return plsc.VectorSubcoreMesh(
        core_axis_name="c", subcore_axis_name="s", num_cores=NC, num_subcores=NS
    )



@functools.lru_cache(maxsize=None)
def _make_sc_deg():
    @functools.partial(
        pl.kernel,
        out_type=jax.ShapeDtypeStruct((NC, NP), jnp.float32),
        mesh=_sc_mesh(),
        scratch_types=[
            pltpu.VMEM_SHARED((NP,), jnp.float32),
            pltpu.VMEM((CHUNK,), jnp.int32),
            pltpu.VMEM((CHUNK,), jnp.float32),
        ],
    )
    def sc_deg(dst_hbm, zeros1_hbm, ones_hbm, deg_hbm, acc, idx_d, ones_v):
        c = lax.axis_index("c")
        s = lax.axis_index("s")
        wid = c * NS + s
        pltpu.sync_copy(
            zeros1_hbm.at[pl.ds(s * RPT, RPT)], acc.at[pl.ds(s * RPT, RPT)]
        )
        pltpu.sync_copy(ones_hbm, ones_v)
        plsc.subcore_barrier()

        def body(j, carry):
            base = (wid * CPT + j) * CHUNK
            pltpu.sync_copy(dst_hbm.at[pl.ds(base, CHUNK)], idx_d)
            pltpu.sync_copy(ones_v, acc.at[idx_d], add=True)
            return carry

        lax.fori_loop(0, CPT, body, 0)
        plsc.subcore_barrier()
        pltpu.sync_copy(
            acc.at[pl.ds(s * RPT, RPT)], deg_hbm.at[c, pl.ds(s * RPT, RPT)]
        )

    return sc_deg



@functools.lru_cache(maxsize=None)
def _make_sc_agg():
    @functools.partial(
        pl.kernel,
        out_type=jax.ShapeDtypeStruct((NC, NP, D), jnp.float32),
        mesh=_sc_mesh(),
        scratch_types=[
            pltpu.VMEM_SHARED((NP, D), jnp.float32),
            pltpu.VMEM((CHUNK,), jnp.int32),
            pltpu.VMEM((CHUNK,), jnp.int32),
            pltpu.VMEM((CHUNK,), jnp.int32),
            pltpu.VMEM((CHUNK,), jnp.int32),
            pltpu.VMEM((CHUNK, D), jnp.float32),
            pltpu.VMEM((CHUNK, D), jnp.float32),
            pltpu.SemaphoreType.DMA,
            pltpu.SemaphoreType.DMA,
        ],
    )
    def sc_agg(u_hbm, src_hbm, dst_hbm, zeros_hbm, agg_hbm, acc,
               idx_sa, idx_da, idx_sb, idx_db, rows_a, rows_b, sem_a, sem_b):
        c = lax.axis_index("c")
        s = lax.axis_index("s")
        wid = c * NS + s
        base0 = wid * CPT * CHUNK
        pltpu.sync_copy(
            zeros_hbm.at[pl.ds(s * RPT, RPT)], acc.at[pl.ds(s * RPT, RPT)]
        )
        plsc.subcore_barrier()

        pltpu.sync_copy(src_hbm.at[pl.ds(base0, CHUNK)], idx_sa)
        pltpu.sync_copy(dst_hbm.at[pl.ds(base0, CHUNK)], idx_da)
        pltpu.async_copy(u_hbm.at[idx_sa], rows_a, sem_a)
        pltpu.sync_copy(src_hbm.at[pl.ds(base0 + CHUNK, CHUNK)], idx_sb)
        pltpu.sync_copy(dst_hbm.at[pl.ds(base0 + CHUNK, CHUNK)], idx_db)
        pltpu.async_copy(u_hbm.at[idx_sb], rows_b, sem_b)

        def body(m, carry):
            ja = 2 * m
            pltpu.make_async_copy(u_hbm.at[idx_sa], rows_a, sem_a).wait()
            pltpu.sync_copy(rows_a, acc.at[idx_da], add=True)
            ba = base0 + (ja + 2) * CHUNK
            pltpu.sync_copy(src_hbm.at[pl.ds(ba, CHUNK)], idx_sa)
            pltpu.sync_copy(dst_hbm.at[pl.ds(ba, CHUNK)], idx_da)
            pltpu.async_copy(u_hbm.at[idx_sa], rows_a, sem_a)
            pltpu.make_async_copy(u_hbm.at[idx_sb], rows_b, sem_b).wait()
            pltpu.sync_copy(rows_b, acc.at[idx_db], add=True)
            bb = base0 + (ja + 3) * CHUNK
            pltpu.sync_copy(src_hbm.at[pl.ds(bb, CHUNK)], idx_sb)
            pltpu.sync_copy(dst_hbm.at[pl.ds(bb, CHUNK)], idx_db)
            pltpu.async_copy(u_hbm.at[idx_sb], rows_b, sem_b)
            return carry

        lax.fori_loop(0, CPT // 2 - 1, body, 0)
        pltpu.make_async_copy(u_hbm.at[idx_sa], rows_a, sem_a).wait()
        pltpu.sync_copy(rows_a, acc.at[idx_da], add=True)
        pltpu.make_async_copy(u_hbm.at[idx_sb], rows_b, sem_b).wait()
        pltpu.sync_copy(rows_b, acc.at[idx_db], add=True)
        plsc.subcore_barrier()
        pltpu.sync_copy(
            acc.at[pl.ds(s * RPT, RPT)], agg_hbm.at[c, pl.ds(s * RPT, RPT)]
        )

    return sc_agg



def _tca_body(x_ref, win_ref, bin_ref, w1_ref, dega_ref, degb_ref, t1_ref, u1_ref):
    t0 = jnp.dot(x_ref[...], win_ref[...], preferred_element_type=jnp.float32)
    t0 = t0 + bin_ref[...]
    t1 = jnp.dot(t0, w1_ref[...], preferred_element_type=jnp.float32)
    deg = dega_ref[...] + degb_ref[...] + 1.0
    dis = lax.rsqrt(deg)
    t1_ref[...] = t1
    u1_ref[...] = t1 * dis


def _tc_a(xp, W_in, b_in, W1, dega, degb):
    return pl.pallas_call(
        _tca_body,
        grid=(GRID,),
        in_specs=[
            pl.BlockSpec((RBLK, D), lambda i: (i, 0)),
            pl.BlockSpec((D, D), lambda i: (0, 0)),
            pl.BlockSpec((1, D), lambda i: (0, 0)),
            pl.BlockSpec((D, D), lambda i: (0, 0)),
            pl.BlockSpec((RBLK, 1), lambda i: (i, 0)),
            pl.BlockSpec((RBLK, 1), lambda i: (i, 0)),
        ],
        out_specs=[
            pl.BlockSpec((RBLK, D), lambda i: (i, 0)),
            pl.BlockSpec((RBLK, D), lambda i: (i, 0)),
        ],
        out_shape=[
            jax.ShapeDtypeStruct((NP, D), jnp.float32),
            jax.ShapeDtypeStruct((NP, D), jnp.float32),
        ],
    )(xp, W_in, b_in.reshape(1, D), W1, dega, degb)


def _tcb_body(a0_ref, a1_ref, t1_ref, dega_ref, degb_ref, b1_ref, w2_ref,
              t2_ref, u2_ref):
    deg = dega_ref[...] + degb_ref[...] + 1.0
    dis = lax.rsqrt(deg)
    invdeg = dis * dis
    h1 = (a0_ref[...] + a1_ref[...]) * dis + t1_ref[...] * invdeg + b1_ref[...]
    h1 = jnp.maximum(h1, 0.0)
    t2 = jnp.dot(h1, w2_ref[...], preferred_element_type=jnp.float32)
    t2_ref[...] = t2
    u2_ref[...] = t2 * dis


def _tc_b(a0, a1, t1, dega, degb, b1, W2):
    return pl.pallas_call(
        _tcb_body,
        grid=(GRID,),
        in_specs=[
            pl.BlockSpec((RBLK, D), lambda i: (i, 0)),
            pl.BlockSpec((RBLK, D), lambda i: (i, 0)),
            pl.BlockSpec((RBLK, D), lambda i: (i, 0)),
            pl.BlockSpec((RBLK, 1), lambda i: (i, 0)),
            pl.BlockSpec((RBLK, 1), lambda i: (i, 0)),
            pl.BlockSpec((1, D), lambda i: (0, 0)),
            pl.BlockSpec((D, D), lambda i: (0, 0)),
        ],
        out_specs=[
            pl.BlockSpec((RBLK, D), lambda i: (i, 0)),
            pl.BlockSpec((RBLK, D), lambda i: (i, 0)),
        ],
        out_shape=[
            jax.ShapeDtypeStruct((NP, D), jnp.float32),
            jax.ShapeDtypeStruct((NP, D), jnp.float32),
        ],
    )(a0, a1, t1, dega, degb, b1.reshape(1, D), W2)


def _tcc_body(a0_ref, a1_ref, t2_ref, dega_ref, degb_ref, b2_ref, batch_ref,
              fc1w_ref, fc1b_ref, fc2w_ref, fc2b_ref, out_ref,
              pooled_acc, counts_acc):
    i = pl.program_id(0)

    @pl.when(i == 0)
    def _init():
        pooled_acc[...] = jnp.zeros_like(pooled_acc)
        counts_acc[...] = jnp.zeros_like(counts_acc)

    deg = dega_ref[...] + degb_ref[...] + 1.0
    dis = lax.rsqrt(deg)
    invdeg = dis * dis
    h2 = (a0_ref[...] + a1_ref[...]) * dis + t2_ref[...] * invdeg + b2_ref[...]
    h2 = jnp.maximum(h2, 0.0)
    gids = lax.broadcasted_iota(jnp.int32, (RBLK, G), 1)
    oh = (batch_ref[...] == gids).astype(jnp.float32)
    pooled_acc[...] += lax.dot_general(
        oh, h2, (((0,), (0,)), ((), ())), preferred_element_type=jnp.float32
    )
    counts_acc[...] += lax.dot_general(
        oh, jnp.ones((RBLK, D), jnp.float32), (((0,), (0,)), ((), ())),
        preferred_element_type=jnp.float32,
    )

    @pl.when(i == GRID - 1)
    def _fin():
        cnt = jnp.maximum(counts_acc[...], 1.0)
        pooled = pooled_acc[...] / cnt
        z = jnp.dot(pooled, fc1w_ref[...], preferred_element_type=jnp.float32)
        z = jnp.maximum(z + fc1b_ref[...], 0.0)
        out = jnp.dot(z, fc2w_ref[...], preferred_element_type=jnp.float32)
        out_ref[...] = out + fc2b_ref[...]


def _tc_c(a0, a1, t2, dega, degb, b2, batchp, fc1_W, fc1_b, fc2_W, fc2_b):
    H2 = fc1_W.shape[1]
    C = fc2_W.shape[1]
    return pl.pallas_call(
        _tcc_body,
        grid=(GRID,),
        in_specs=[
            pl.BlockSpec((RBLK, D), lambda i: (i, 0)),
            pl.BlockSpec((RBLK, D), lambda i: (i, 0)),
            pl.BlockSpec((RBLK, D), lambda i: (i, 0)),
            pl.BlockSpec((RBLK, 1), lambda i: (i, 0)),
            pl.BlockSpec((RBLK, 1), lambda i: (i, 0)),
            pl.BlockSpec((1, D), lambda i: (0, 0)),
            pl.BlockSpec((RBLK, 1), lambda i: (i, 0)),
            pl.BlockSpec((D, H2), lambda i: (0, 0)),
            pl.BlockSpec((1, H2), lambda i: (0, 0)),
            pl.BlockSpec((H2, C), lambda i: (0, 0)),
            pl.BlockSpec((1, C), lambda i: (0, 0)),
        ],
        out_specs=pl.BlockSpec((G, C), lambda i: (0, 0)),
        out_shape=jax.ShapeDtypeStruct((G, C), jnp.float32),
        scratch_shapes=[
            pltpu.VMEM((G, D), jnp.float32),
            pltpu.VMEM((G, D), jnp.float32),
        ],
    )(a0, a1, t2, dega, degb, b2.reshape(1, D), batchp, fc1_W,
      fc1_b.reshape(1, H2), fc2_W, fc2_b.reshape(1, C))



def kernel(x, edge_index, batch, W_in, b_in, W1, b1, W2, b2, fc1_W, fc1_b,
           fc2_W, fc2_b):
    src = edge_index[0]
    dst = edge_index[1]
    pad_i = jnp.full((EP - EDG,), NP - 1, dtype=jnp.int32)
    srcp = jnp.concatenate([src, pad_i])
    dstp = jnp.concatenate([dst, pad_i])
    xp = jnp.zeros((NP, D), jnp.float32).at[:N].set(x)
    batchp = jnp.concatenate(
        [batch, jnp.full((NP - N,), G, dtype=jnp.int32)]
    ).reshape(NP, 1)
    zeros2 = jnp.zeros((NP, D), jnp.float32)
    zeros1 = jnp.zeros((NP,), jnp.float32)
    ones_c = jnp.ones((CHUNK,), jnp.float32)

    deg2 = _make_sc_deg()(dstp, zeros1, ones_c)
    dega = deg2[0].reshape(NP, 1)
    degb = deg2[1].reshape(NP, 1)

    t1, u1 = _tc_a(xp, W_in, b_in, W1, dega, degb)
    agg1 = _make_sc_agg()(u1, srcp, dstp, zeros2)
    t2, u2 = _tc_b(agg1[0], agg1[1], t1, dega, degb, b1, W2)
    agg2 = _make_sc_agg()(u2, srcp, dstp, zeros2)
    return _tc_c(agg2[0], agg2[1], t2, dega, degb, b2, batchp,
                 fc1_W, fc1_b, fc2_W, fc2_b)

# --- scband reference (transcript-rebuilt; emitter-appended) ---
"""Pipeline reference for scband-prebuilt-graph-nn-9947144258236 (READ-ONLY COPY).

The authoritative reference and input builder live on the scoring server;
editing this copy changes nothing except your own understanding.
"""

import jax, jax.numpy as jnp
import numpy as np

N = 10000
E = 320000
D = 128
H = 128
C = 16
G = 16


def setup_inputs(seed: int = 0) -> dict:
    key = jax.random.key(seed)
    ks = jax.random.split(key, 12)
    scale = 0.05
    x = jax.random.normal(ks[0], (N, D), dtype=jnp.float32)
    edge_index = jax.random.randint(ks[1], (2, E), 0, N, dtype=jnp.int32)
    batch = jnp.sort(jax.random.randint(ks[2], (N,), 0, G, dtype=jnp.int32))
    W_in = jax.random.normal(ks[3], (D, H), dtype=jnp.float32) * scale
    b_in = jnp.zeros((H,), dtype=jnp.float32)
    W1 = jax.random.normal(ks[4], (H, H), dtype=jnp.float32) * scale
    b1 = jnp.zeros((H,), dtype=jnp.float32)
    W2 = jax.random.normal(ks[5], (H, H), dtype=jnp.float32) * scale
    b2 = jnp.zeros((H,), dtype=jnp.float32)
    fc1_W = jax.random.normal(ks[6], (H, H // 2), dtype=jnp.float32) * scale
    fc1_b = jnp.zeros((H // 2,), dtype=jnp.float32)
    fc2_W = jax.random.normal(ks[7], (H // 2, C), dtype=jnp.float32) * scale
    fc2_b = jnp.zeros((C,), dtype=jnp.float32)
    return {"x": x, "edge_index": edge_index, "batch": batch,
            "W_in": W_in, "b_in": b_in, "W1": W1, "b1": b1,
            "W2": W2, "b2": b2, "fc1_W": fc1_W, "fc1_b": fc1_b,
            "fc2_W": fc2_W, "fc2_b": fc2_b}


def _gcn_conv(h, src, dst, W, b, n_nodes):
    # PyG GCNConv: linear transform, add self-loops, symmetric normalization, scatter-add
    h = h @ W
    loop = jnp.arange(n_nodes, dtype=src.dtype)
    s = jnp.concatenate([src, loop])
    d = jnp.concatenate([dst, loop])
    deg = jnp.zeros((n_nodes,), h.dtype).at[d].add(1.0)
    dis = jnp.where(deg > 0, jax.lax.rsqrt(jnp.maximum(deg, 1e-12)), 0.0)
    norm = dis[s] * dis[d]
    msg = h[s] * norm[:, None]
    out = jax.ops.segment_sum(msg, d, num_segments=n_nodes)
    return out + b


def reference(x, edge_index, batch, W_in, b_in, W1, b1, W2, b2, fc1_W, fc1_b, fc2_W, fc2_b):
    src = edge_index[0]
    dst = edge_index[1]
    h = x @ W_in + b_in
    h = jax.nn.relu(_gcn_conv(h, src, dst, W1, b1, N))
    # dropout is identity in eval mode
    h = jax.nn.relu(_gcn_conv(h, src, dst, W2, b2, N))
    # global_mean_pool over batch assignment
    sums = jax.ops.segment_sum(h, batch, num_segments=G)
    counts = jax.ops.segment_sum(jnp.ones((h.shape[0],), h.dtype), batch, num_segments=G)
    pooled = sums / jnp.maximum(counts, 1.0)[:, None]
    h = jax.nn.relu(pooled @ fc1_W + fc1_b)
    return h @ fc2_W + fc2_b

if __name__ == "__main__":
    import jax
    _d = setup_inputs()
    print(jax.jit(kernel)(*tuple(_d.values())))

</pallas_src>

<mosaic_0001>
#map = affine_map<(d0, d1) -> (0)>
#map1 = affine_map<(d0, d1) -> (0, 0)>
module attributes {stable_mosaic.version = 14 : i64} {
  func.func @sc_deg(%arg0: i32, %arg1: i32, %arg2: memref<327680xi32, #tpu.memory_space<hbm>>, %arg3: memref<10240xf32, #tpu.memory_space<hbm>>, %arg4: memref<128xf32, #tpu.memory_space<hbm>>, %arg5: memref<2x10240xf32, #tpu.memory_space<hbm>>, %arg6: memref<10240xf32, #tpu.memory_space<vmem_shared>>, %arg7: memref<128xi32, #tpu.memory_space<vmem>>, %arg8: memref<128xf32, #tpu.memory_space<vmem>>) attributes {dimension_semantics = [#tpu.dimension_semantics<core_parallel>, #tpu.dimension_semantics<subcore_parallel>], iteration_bounds = array<i64: 2, 16>, scalar_prefetch = 0 : i64, scratch_operands = 3 : i64, tpu.core_type = #tpu.core_type<sc_vector_subcore>, window_params = [{transform_indices = #map}, {transform_indices = #map}, {transform_indices = #map}, {transform_indices = #map1}]} {
    %mul3A = arith.constant 16 : i32
    %mul3A_0 = arith.muli %arg0, %mul3A : i32
    %add3A = arith.addi %mul3A_0, %arg1 : i32
    %mul3A_1 = arith.constant 640 : i32
    %mul3A_2 = arith.muli %arg1, %mul3A_1 : i32
    %mul3A_3 = arith.constant 640 : i32
    %mul3A_4 = arith.muli %arg1, %mul3A_3 : i32
    "tpu.region"() ({
      %run_scoped3A = tpu.sem_alloc : memref<!tpu.dma_semaphore, #tpu.memory_space<semaphore_mem>>
      %dma_start3A = tpu.memref_slice %arg6[%mul3A_4] : memref<10240xf32, #tpu.memory_space<vmem_shared>> -> memref<640xf32, #tpu.memory_space<vmem_shared>>
      %dma_start3A_15 = tpu.memref_slice %arg3[%mul3A_2] : memref<10240xf32, #tpu.memory_space<hbm>> -> memref<640xf32, #tpu.memory_space<hbm>>
      tpu.enqueue_dma source(%dma_start3A_15 : memref<640xf32, #tpu.memory_space<hbm>>) target(%dma_start3A : memref<640xf32, #tpu.memory_space<vmem_shared>>) target_semaphore(%run_scoped3A : memref<!tpu.dma_semaphore, #tpu.memory_space<semaphore_mem>>)
      %dma_wait3A = tpu.memref_slice %arg6[%mul3A_4] : memref<10240xf32, #tpu.memory_space<vmem_shared>> -> memref<640xf32, #tpu.memory_space<vmem_shared>>
      %dma_wait3A_16 = tpu.memref_slice %arg3[%mul3A_2] : memref<10240xf32, #tpu.memory_space<hbm>> -> memref<640xf32, #tpu.memory_space<hbm>>
      tpu.wait_dma2 semaphore(%run_scoped3A : memref<!tpu.dma_semaphore, #tpu.memory_space<semaphore_mem>>) src(%dma_wait3A_16 : memref<640xf32, #tpu.memory_space<hbm>>) dst(%dma_wait3A : memref<640xf32, #tpu.memory_space<vmem_shared>>)
      tpu.yield
    }) : () -> ()
    "tpu.region"() ({
      %run_scoped3A = tpu.sem_alloc : memref<!tpu.dma_semaphore, #tpu.memory_space<semaphore_mem>>
      tpu.enqueue_dma source(%arg4 : memref<128xf32, #tpu.memory_space<hbm>>) target(%arg8 : memref<128xf32, #tpu.memory_space<vmem>>) target_semaphore(%run_scoped3A : memref<!tpu.dma_semaphore, #tpu.memory_space<semaphore_mem>>)
      tpu.wait_dma2 semaphore(%run_scoped3A : memref<!tpu.dma_semaphore, #tpu.memory_space<semaphore_mem>>) src(%arg4 : memref<128xf32, #tpu.memory_space<hbm>>) dst(%arg8 : memref<128xf32, #tpu.memory_space<vmem>>)
      tpu.yield
    }) : () -> ()
    %barrier3A = arith.constant 0 : index
    tpu.barrier barrier_id(%barrier3A)
    %scan3A = arith.constant 0 : i32
    %scan3A_5 = arith.constant 0 : i32
    %scan3A_6 = arith.constant 80 : i32
    %scan3A_7 = arith.addi %scan3A_5, %scan3A_6 : i32
    %scan3A_8 = arith.constant 1 : i32
    scf.for %scan3A_15 = %scan3A_5 to %scan3A_7 step %scan3A_8  : i32 {
      %mul3A_16 = arith.constant 80 : i32
      %mul3A_17 = arith.muli %add3A, %mul3A_16 : i32
      %add3A_18 = arith.addi %mul3A_17, %scan3A_15 : i32
      %mul3A_19 = arith.constant 128 : i32
      %mul3A_20 = arith.muli %add3A_18, %mul3A_19 : i32
      "tpu.region"() ({
        %run_scoped3A = tpu.sem_alloc : memref<!tpu.dma_semaphore, #tpu.memory_space<semaphore_mem>>
        %dma_start3A = tpu.memref_slice %arg2[%mul3A_20] : memref<327680xi32, #tpu.memory_space<hbm>> -> memref<128xi32, #tpu.memory_space<hbm>>
        %dma_start3A_21 = tpu.memref_slice %arg2[%mul3A_20] : memref<327680xi32, #tpu.memory_space<hbm>> -> memref<128xi32, #tpu.memory_space<hbm>>
        tpu.enqueue_dma source(%dma_start3A_21 : memref<128xi32, #tpu.memory_space<hbm>>) target(%arg7 : memref<128xi32, #tpu.memory_space<vmem>>) target_semaphore(%run_scoped3A : memref<!tpu.dma_semaphore, #tpu.memory_space<semaphore_mem>>)
        %dma_wait3A = tpu.memref_slice %arg2[%mul3A_20] : memref<327680xi32, #tpu.memory_space<hbm>> -> memref<128xi32, #tpu.memory_space<hbm>>
        %dma_wait3A_22 = tpu.memref_slice %arg2[%mul3A_20] : memref<327680xi32, #tpu.memory_space<hbm>> -> memref<128xi32, #tpu.memory_space<hbm>>
        tpu.wait_dma2 semaphore(%run_scoped3A : memref<!tpu.dma_semaphore, #tpu.memory_space<semaphore_mem>>) src(%dma_wait3A_22 : memref<128xi32, #tpu.memory_space<hbm>>) dst(%arg7 : memref<128xi32, #tpu.memory_space<vmem>>)
        tpu.yield
      }) : () -> ()
      "tpu.region"() ({
        %run_scoped3A = tpu.sem_alloc : memref<!tpu.dma_semaphore, #tpu.memory_space<semaphore_mem>>
        %dma_start3A = arith.constant 0 : i32
        %dma_start3A_21 = tpu.memref_slice %arg6[%dma_start3A] : memref<10240xf32, #tpu.memory_space<vmem_shared>> -> memref<10240xf32, #tpu.memory_space<vmem_shared>>
        tpu.enqueue_indirect_dma source(%arg8 : memref<128xf32, #tpu.memory_space<vmem>>) target(%dma_start3A_21 : memref<10240xf32, #tpu.memory_space<vmem_shared>>) offsets(%arg7 : memref<128xi32, #tpu.memory_space<vmem>>) semaphore(%run_scoped3A : memref<!tpu.dma_semaphore, #tpu.memory_space<semaphore_mem>>) {add = true}
        %dma_wait3A = arith.constant 0 : i32
        %dma_wait3A_22 = tpu.memref_slice %arg6[%dma_wait3A] : memref<10240xf32, #tpu.memory_space<vmem_shared>> -> memref<10240xf32, #tpu.memory_space<vmem_shared>>
        tpu.wait_indirect_dma semaphore(%run_scoped3A : memref<!tpu.dma_semaphore, #tpu.memory_space<semaphore_mem>>) src(%arg8 : memref<128xf32, #tpu.memory_space<vmem>>) dst(%dma_wait3A_22 : memref<10240xf32, #tpu.memory_space<vmem_shared>>)
        tpu.yield
      }) : () -> ()
    }
    %scan3A_9 = arith.constant 80 : i32
    %barrier3A_10 = arith.constant 0 : index
    tpu.barrier barrier_id(%barrier3A_10)
    %mul3A_11 = arith.constant 640 : i32
    %mul3A_12 = arith.muli %arg1, %mul3A_11 : i32
    %mul3A_13 = arith.constant 640 : i32
    %mul3A_14 = arith.muli %arg1, %mul3A_13 : i32
    "tpu.region"() ({
      %run_scoped3A = tpu.sem_alloc : memref<!tpu.dma_semaphore, #tpu.memory_space<semaphore_mem>>
      %dma_start3A = tpu.memref_slice %arg5[%arg0, %mul3A_14] : memref<2x10240xf32, #tpu.memory_space<hbm>> -> memref<1x640xf32, #tpu.memory_space<hbm>>
      %dma_start3A_15 = tpu.memref_squeeze %dma_start3A : memref<1x640xf32, #tpu.memory_space<hbm>> -> memref<640xf32, #tpu.memory_space<hbm>>
      %dma_start3A_16 = tpu.memref_slice %arg6[%mul3A_12] : memref<10240xf32, #tpu.memory_space<vmem_shared>> -> memref<640xf32, #tpu.memory_space<vmem_shared>>
      tpu.enqueue_dma source(%dma_start3A_16 : memref<640xf32, #tpu.memory_space<vmem_shared>>) target(%dma_start3A_15 : memref<640xf32, #tpu.memory_space<hbm>>) target_semaphore(%run_scoped3A : memref<!tpu.dma_semaphore, #tpu.memory_space<semaphore_mem>>)
      %dma_wait3A = tpu.memref_slice %arg5[%arg0, %mul3A_14] : memref<2x10240xf32, #tpu.memory_space<hbm>> -> memref<1x640xf32, #tpu.memory_space<hbm>>
      %dma_wait3A_17 = tpu.memref_squeeze %dma_wait3A : memref<1x640xf32, #tpu.memory_space<hbm>> -> memref<640xf32, #tpu.memory_space<hbm>>
      %dma_wait3A_18 = tpu.memref_slice %arg6[%mul3A_12] : memref<10240xf32, #tpu.memory_space<vmem_shared>> -> memref<640xf32, #tpu.memory_space<vmem_shared>>
      tpu.wait_dma2 semaphore(%run_scoped3A : memref<!tpu.dma_semaphore, #tpu.memory_space<semaphore_mem>>) src(%dma_wait3A_18 : memref<640xf32, #tpu.memory_space<vmem_shared>>) dst(%dma_wait3A_17 : memref<640xf32, #tpu.memory_space<hbm>>)
      tpu.yield
    }) : () -> ()
    return
  }
}

#map = affine_map<(d0, d1) -> (0, 0)>
#map1 = affine_map<(d0, d1) -> (0)>
#map2 = affine_map<(d0, d1) -> (0, 0, 0)>
module attributes {stable_mosaic.version = 14 : i64} {
  func.func @sc_agg(%arg0: i32, %arg1: i32, %arg2: memref<10240x128xf32, #tpu.memory_space<hbm>>, %arg3: memref<327680xi32, #tpu.memory_space<hbm>>, %arg4: memref<327680xi32, #tpu.memory_space<hbm>>, %arg5: memref<10240x128xf32, #tpu.memory_space<hbm>>, %arg6: memref<2x10240x128xf32, #tpu.memory_space<hbm>>, %arg7: memref<10240x128xf32, #tpu.memory_space<vmem_shared>>, %arg8: memref<128xi32, #tpu.memory_space<vmem>>, %arg9: memref<128xi32, #tpu.memory_space<vmem>>, %arg10: memref<128xi32, #tpu.memory_space<vmem>>, %arg11: memref<128xi32, #tpu.memory_space<vmem>>, %arg12: memref<128x128xf32, #tpu.memory_space<vmem>>, %arg13: memref<128x128xf32, #tpu.memory_space<vmem>>, %arg14: memref<!tpu.dma_semaphore, #tpu.memory_space<semaphore_mem>>, %arg15: memref<!tpu.dma_semaphore, #tpu.memory_space<semaphore_mem>>) attributes {dimension_semantics = [#tpu.dimension_semantics<core_parallel>, #tpu.dimension_semantics<subcore_parallel>], iteration_bounds = array<i64: 2, 16>, scalar_prefetch = 0 : i64, scratch_operands = 9 : i64, tpu.core_type = #tpu.core_type<sc_vector_subcore>, window_params = [{transform_indices = #map}, {transform_indices = #map1}, {transform_indices = #map1}, {transform_indices = #map}, {transform_indices = #map2}]} {
    %mul3A = arith.constant 16 : i32
    %mul3A_0 = arith.muli %arg0, %mul3A : i32
    %add3A = arith.addi %mul3A_0, %arg1 : i32
    %mul3A_1 = arith.constant 80 : i32
    %mul3A_2 = arith.muli %add3A, %mul3A_1 : i32
    %mul3A_3 = arith.constant 128 : i32
    %mul3A_4 = arith.muli %mul3A_2, %mul3A_3 : i32
    %mul3A_5 = arith.constant 640 : i32
    %mul3A_6 = arith.muli %arg1, %mul3A_5 : i32
    %mul3A_7 = arith.constant 640 : i32
    %mul3A_8 = arith.muli %arg1, %mul3A_7 : i32
    "tpu.region"() ({
      %run_scoped3A = tpu.sem_alloc : memref<!tpu.dma_semaphore, #tpu.memory_space<semaphore_mem>>
      %dma_start3A_33 = arith.constant 0 : i32
      %dma_start3A_34 = tpu.memref_slice %arg7[%mul3A_8, %dma_start3A_33] : memref<10240x128xf32, #tpu.memory_space<vmem_shared>> -> memref<640x128xf32, #tpu.memory_space<vmem_shared>>
      %dma_start3A_35 = arith.constant 0 : i32
      %dma_start3A_36 = tpu.memref_slice %arg5[%mul3A_6, %dma_start3A_35] : memref<10240x128xf32, #tpu.memory_space<hbm>> -> memref<640x128xf32, #tpu.memory_space<hbm>>
      tpu.enqueue_dma source(%dma_start3A_36 : memref<640x128xf32, #tpu.memory_space<hbm>>) target(%dma_start3A_34 : memref<640x128xf32, #tpu.memory_space<vmem_shared>>) target_semaphore(%run_scoped3A : memref<!tpu.dma_semaphore, #tpu.memory_space<semaphore_mem>>)
      %dma_wait3A_37 = arith.constant 0 : i32
      %dma_wait3A_38 = tpu.memref_slice %arg7[%mul3A_8, %dma_wait3A_37] : memref<10240x128xf32, #tpu.memory_space<vmem_shared>> -> memref<640x128xf32, #tpu.memory_space<vmem_shared>>
      %dma_wait3A_39 = arith.constant 0 : i32
      %dma_wait3A_40 = tpu.memref_slice %arg5[%mul3A_6, %dma_wait3A_39] : memref<10240x128xf32, #tpu.memory_space<hbm>> -> memref<640x128xf32, #tpu.memory_space<hbm>>
      tpu.wait_dma2 semaphore(%run_scoped3A : memref<!tpu.dma_semaphore, #tpu.memory_space<semaphore_mem>>) src(%dma_wait3A_40 : memref<640x128xf32, #tpu.memory_space<hbm>>) dst(%dma_wait3A_38 : memref<640x128xf32, #tpu.memory_space<vmem_shared>>)
      tpu.yield
    }) : () -> ()
    %barrier3A = arith.constant 0 : index
    tpu.barrier barrier_id(%barrier3A)
    "tpu.region"() ({
      %run_scoped3A = tpu.sem_alloc : memref<!tpu.dma_semaphore, #tpu.memory_space<semaphore_mem>>
      %dma_start3A_33 = tpu.memref_slice %arg3[%mul3A_4] : memref<327680xi32, #tpu.memory_space<hbm>> -> memref<128xi32, #tpu.memory_space<hbm>>
      %dma_start3A_34 = tpu.memref_slice %arg3[%mul3A_4] : memref<327680xi32, #tpu.memory_space<hbm>> -> memref<128xi32, #tpu.memory_space<hbm>>
      tpu.enqueue_dma source(%dma_start3A_34 : memref<128xi32, #tpu.memory_space<hbm>>) target(%arg8 : memref<128xi32, #tpu.memory_space<vmem>>) target_semaphore(%run_scoped3A : memref<!tpu.dma_semaphore, #tpu.memory_space<semaphore_mem>>)
      %dma_wait3A_35 = tpu.memref_slice %arg3[%mul3A_4] : memref<327680xi32, #tpu.memory_space<hbm>> -> memref<128xi32, #tpu.memory_space<hbm>>
      %dma_wait3A_36 = tpu.memref_slice %arg3[%mul3A_4] : memref<327680xi32, #tpu.memory_space<hbm>> -> memref<128xi32, #tpu.memory_space<hbm>>
      tpu.wait_dma2 semaphore(%run_scoped3A : memref<!tpu.dma_semaphore, #tpu.memory_space<semaphore_mem>>) src(%dma_wait3A_36 : memref<128xi32, #tpu.memory_space<hbm>>) dst(%arg8 : memref<128xi32, #tpu.memory_space<vmem>>)
      tpu.yield
    }) : () -> ()
    "tpu.region"() ({
      %run_scoped3A = tpu.sem_alloc : memref<!tpu.dma_semaphore, #tpu.memory_space<semaphore_mem>>
      %dma_start3A_33 = tpu.memref_slice %arg4[%mul3A_4] : memref<327680xi32, #tpu.memory_space<hbm>> -> memref<128xi32, #tpu.memory_space<hbm>>
      %dma_start3A_34 = tpu.memref_slice %arg4[%mul3A_4] : memref<327680xi32, #tpu.memory_space<hbm>> -> memref<128xi32, #tpu.memory_space<hbm>>
      tpu.enqueue_dma source(%dma_start3A_34 : memref<128xi32, #tpu.memory_space<hbm>>) target(%arg9 : memref<128xi32, #tpu.memory_space<vmem>>) target_semaphore(%run_scoped3A : memref<!tpu.dma_semaphore, #tpu.memory_space<semaphore_mem>>)
      %dma_wait3A_35 = tpu.memref_slice %arg4[%mul3A_4] : memref<327680xi32, #tpu.memory_space<hbm>> -> memref<128xi32, #tpu.memory_space<hbm>>
      %dma_wait3A_36 = tpu.memref_slice %arg4[%mul3A_4] : memref<327680xi32, #tpu.memory_space<hbm>> -> memref<128xi32, #tpu.memory_space<hbm>>
      tpu.wait_dma2 semaphore(%run_scoped3A : memref<!tpu.dma_semaphore, #tpu.memory_space<semaphore_mem>>) src(%dma_wait3A_36 : memref<128xi32, #tpu.memory_space<hbm>>) dst(%arg9 : memref<128xi32, #tpu.memory_space<vmem>>)
      tpu.yield
    }) : () -> ()
    %dma_start3A = arith.constant 0 : i32
    %dma_start3A_9 = arith.constant 0 : i32
    %dma_start3A_10 = tpu.memref_slice %arg2[%dma_start3A, %dma_start3A_9] : memref<10240x128xf32, #tpu.memory_space<hbm>> -> memref<10240x128xf32, #tpu.memory_space<hbm>>
    tpu.enqueue_indirect_dma source(%dma_start3A_10 : memref<10240x128xf32, #tpu.memory_space<hbm>>) target(%arg12 : memref<128x128xf32, #tpu.memory_space<vmem>>) offsets(%arg8 : memref<128xi32, #tpu.memory_space<vmem>>) semaphore(%arg14 : memref<!tpu.dma_semaphore, #tpu.memory_space<semaphore_mem>>)
    %add3A_11 = arith.constant 128 : i32
    %add3A_12 = arith.addi %mul3A_4, %add3A_11 : i32
    "tpu.region"() ({
      %run_scoped3A = tpu.sem_alloc : memref<!tpu.dma_semaphore, #tpu.memory_space<semaphore_mem>>
      %dma_start3A_33 = tpu.memref_slice %arg3[%add3A_12] : memref<327680xi32, #tpu.memory_space<hbm>> -> memref<128xi32, #tpu.memory_space<hbm>>
      %dma_start3A_34 = tpu.memref_slice %arg3[%add3A_12] : memref<327680xi32, #tpu.memory_space<hbm>> -> memref<128xi32, #tpu.memory_space<hbm>>
      tpu.enqueue_dma source(%dma_start3A_34 : memref<128xi32, #tpu.memory_space<hbm>>) target(%arg10 : memref<128xi32, #tpu.memory_space<vmem>>) target_semaphore(%run_scoped3A : memref<!tpu.dma_semaphore, #tpu.memory_space<semaphore_mem>>)
      %dma_wait3A_35 = tpu.memref_slice %arg3[%add3A_12] : memref<327680xi32, #tpu.memory_space<hbm>> -> memref<128xi32, #tpu.memory_space<hbm>>
      %dma_wait3A_36 = tpu.memref_slice %arg3[%add3A_12] : memref<327680xi32, #tpu.memory_space<hbm>> -> memref<128xi32, #tpu.memory_space<hbm>>
      tpu.wait_dma2 semaphore(%run_scoped3A : memref<!tpu.dma_semaphore, #tpu.memory_space<semaphore_mem>>) src(%dma_wait3A_36 : memref<128xi32, #tpu.memory_space<hbm>>) dst(%arg10 : memref<128xi32, #tpu.memory_space<vmem>>)
      tpu.yield
    }) : () -> ()
    %add3A_13 = arith.constant 128 : i32
    %add3A_14 = arith.addi %mul3A_4, %add3A_13 : i32
    "tpu.region"() ({
      %run_scoped3A = tpu.sem_alloc : memref<!tpu.dma_semaphore, #tpu.memory_space<semaphore_mem>>
      %dma_start3A_33 = tpu.memref_slice %arg4[%add3A_14] : memref<327680xi32, #tpu.memory_space<hbm>> -> memref<128xi32, #tpu.memory_space<hbm>>
      %dma_start3A_34 = tpu.memref_slice %arg4[%add3A_14] : memref<327680xi32, #tpu.memory_space<hbm>> -> memref<128xi32, #tpu.memory_space<hbm>>
      tpu.enqueue_dma source(%dma_start3A_34 : memref<128xi32, #tpu.memory_space<hbm>>) target(%arg11 : memref<128xi32, #tpu.memory_space<vmem>>) target_semaphore(%run_scoped3A : memref<!tpu.dma_semaphore, #tpu.memory_space<semaphore_mem>>)
      %dma_wait3A_35 = tpu.memref_slice %arg4[%add3A_14] : memref<327680xi32, #tpu.memory_space<hbm>> -> memref<128xi32, #tpu.memory_space<hbm>>
      %dma_wait3A_36 = tpu.memref_slice %arg4[%add3A_14] : memref<327680xi32, #tpu.memory_space<hbm>> -> memref<128xi32, #tpu.memory_space<hbm>>
      tpu.wait_dma2 semaphore(%run_scoped3A : memref<!tpu.dma_semaphore, #tpu.memory_space<semaphore_mem>>) src(%dma_wait3A_36 : memref<128xi32, #tpu.memory_space<hbm>>) dst(%arg11 : memref<128xi32, #tpu.memory_space<vmem>>)
      tpu.yield
    }) : () -> ()
    %dma_start3A_15 = arith.constant 0 : i32
    %dma_start3A_16 = arith.constant 0 : i32
    %dma_start3A_17 = tpu.memref_slice %arg2[%dma_start3A_15, %dma_start3A_16] : memref<10240x128xf32, #tpu.memory_space<hbm>> -> memref<10240x128xf32, #tpu.memory_space<hbm>>
    tpu.enqueue_indirect_dma source(%dma_start3A_17 : memref<10240x128xf32, #tpu.memory_space<hbm>>) target(%arg13 : memref<128x128xf32, #tpu.memory_space<vmem>>) offsets(%arg10 : memref<128xi32, #tpu.memory_space<vmem>>) semaphore(%arg15 : memref<!tpu.dma_semaphore, #tpu.memory_space<semaphore_mem>>)
    %scan3A = arith.constant 0 : i32
    %scan3A_18 = arith.constant 0 : i32
    %scan3A_19 = arith.constant 39 : i32
    %scan3A_20 = arith.addi %scan3A_18, %scan3A_19 : i32
    %scan3A_21 = arith.constant 1 : i32
    scf.for %scan3A_33 = %scan3A_18 to %scan3A_20 step %scan3A_21  : i32 {
      %mul3A_34 = arith.constant 2 : i32
      %mul3A_35 = arith.muli %mul3A_34, %scan3A_33 : i32
      %dma_wait3A_36 = arith.constant 0 : i32
      %dma_wait3A_37 = arith.constant 0 : i32
      %dma_wait3A_38 = tpu.memref_slice %arg2[%dma_wait3A_36, %dma_wait3A_37] : memref<10240x128xf32, #tpu.memory_space<hbm>> -> memref<10240x128xf32, #tpu.memory_space<hbm>>
      tpu.wait_indirect_dma semaphore(%arg14 : memref<!tpu.dma_semaphore, #tpu.memory_space<semaphore_mem>>) src(%dma_wait3A_38 : memref<10240x128xf32, #tpu.memory_space<hbm>>) dst(%arg12 : memref<128x128xf32, #tpu.memory_space<vmem>>)
      "tpu.region"() ({
        %run_scoped3A = tpu.sem_alloc : memref<!tpu.dma_semaphore, #tpu.memory_space<semaphore_mem>>
        %dma_start3A_58 = arith.constant 0 : i32
        %dma_start3A_59 = arith.constant 0 : i32
        %dma_start3A_60 = tpu.memref_slice %arg7[%dma_start3A_58, %dma_start3A_59] : memref<10240x128xf32, #tpu.memory_space<vmem_shared>> -> memref<10240x128xf32, #tpu.memory_space<vmem_shared>>
        tpu.enqueue_indirect_dma source(%arg12 : memref<128x128xf32, #tpu.memory_space<vmem>>) target(%dma_start3A_60 : memref<10240x128xf32, #tpu.memory_space<vmem_shared>>) offsets(%arg9 : memref<128xi32, #tpu.memory_space<vmem>>) semaphore(%run_scoped3A : memref<!tpu.dma_semaphore, #tpu.memory_space<semaphore_mem>>) {add = true}
        %dma_wait3A_61 = arith.constant 0 : i32
        %dma_wait3A_62 = arith.constant 0 : i32
        %dma_wait3A_63 = tpu.memref_slice %arg7[%dma_wait3A_61, %dma_wait3A_62] : memref<10240x128xf32, #tpu.memory_space<vmem_shared>> -> memref<10240x128xf32, #tpu.memory_space<vmem_shared>>
        tpu.wait_indirect_dma semaphore(%run_scoped3A : memref<!tpu.dma_semaphore, #tpu.memory_space<semaphore_mem>>) src(%arg12 : memref<128x128xf32, #tpu.memory_space<vmem>>) dst(%dma_wait3A_63 : memref<10240x128xf32, #tpu.memory_space<vmem_shared>>)
        tpu.yield
      }) : () -> ()
      %add3A_39 = arith.constant 2 : i32
      %add3A_40 = arith.addi %mul3A_35, %add3A_39 : i32
      %mul3A_41 = arith.constant 128 : i32
      %mul3A_42 = arith.muli %add3A_40, %mul3A_41 : i32
      %add3A_43 = arith.addi %mul3A_4, %mul3A_42 : i32
      "tpu.region"() ({
        %run_scoped3A = tpu.sem_alloc : memref<!tpu.dma_semaphore, #tpu.memory_space<semaphore_mem>>
        %dma_start3A_58 = tpu.memref_slice %arg3[%add3A_43] : memref<327680xi32, #tpu.memory_space<hbm>> -> memref<128xi32, #tpu.memory_space<hbm>>
        %dma_start3A_59 = tpu.memref_slice %arg3[%add3A_43] : memref<327680xi32, #tpu.memory_space<hbm>> -> memref<128xi32, #tpu.memory_space<hbm>>
        tpu.enqueue_dma source(%dma_start3A_59 : memref<128xi32, #tpu.memory_space<hbm>>) target(%arg8 : memref<128xi32, #tpu.memory_space<vmem>>) target_semaphore(%run_scoped3A : memref<!tpu.dma_semaphore, #tpu.memory_space<semaphore_mem>>)
        %dma_wait3A_60 = tpu.memref_slice %arg3[%add3A_43] : memref<327680xi32, #tpu.memory_space<hbm>> -> memref<128xi32, #tpu.memory_space<hbm>>
        %dma_wait3A_61 = tpu.memref_slice %arg3[%add3A_43] : memref<327680xi32, #tpu.memory_space<hbm>> -> memref<128xi32, #tpu.memory_space<hbm>>
        tpu.wait_dma2 semaphore(%run_scoped3A : memref<!tpu.dma_semaphore, #tpu.memory_space<semaphore_mem>>) src(%dma_wait3A_61 : memref<128xi32, #tpu.memory_space<hbm>>) dst(%arg8 : memref<128xi32, #tpu.memory_space<vmem>>)
        tpu.yield
      }) : () -> ()
      "tpu.region"() ({
        %run_scoped3A = tpu.sem_alloc : memref<!tpu.dma_semaphore, #tpu.memory_space<semaphore_mem>>
        %dma_start3A_58 = tpu.memref_slice %arg4[%add3A_43] : memref<327680xi32, #tpu.memory_space<hbm>> -> memref<128xi32, #tpu.memory_space<hbm>>
        %dma_start3A_59 = tpu.memref_slice %arg4[%add3A_43] : memref<327680xi32, #tpu.memory_space<hbm>> -> memref<128xi32, #tpu.memory_space<hbm>>
        tpu.enqueue_dma source(%dma_start3A_59 : memref<128xi32, #tpu.memory_space<hbm>>) target(%arg9 : memref<128xi32, #tpu.memory_space<vmem>>) target_semaphore(%run_scoped3A : memref<!tpu.dma_semaphore, #tpu.memory_space<semaphore_mem>>)
        %dma_wait3A_60 = tpu.memref_slice %arg4[%add3A_43] : memref<327680xi32, #tpu.memory_space<hbm>> -> memref<128xi32, #tpu.memory_space<hbm>>
        %dma_wait3A_61 = tpu.memref_slice %arg4[%add3A_43] : memref<327680xi32, #tpu.memory_space<hbm>> -> memref<128xi32, #tpu.memory_space<hbm>>
        tpu.wait_dma2 semaphore(%run_scoped3A : memref<!tpu.dma_semaphore, #tpu.memory_space<semaphore_mem>>) src(%dma_wait3A_61 : memref<128xi32, #tpu.memory_space<hbm>>) dst(%arg9 : memref<128xi32, #tpu.memory_space<vmem>>)
        tpu.yield
      }) : () -> ()
      %dma_start3A_44 = arith.constant 0 : i32
      %dma_start3A_45 = arith.constant 0 : i32
      %dma_start3A_46 = tpu.memref_slice %arg2[%dma_start3A_44, %dma_start3A_45] : memref<10240x128xf32, #tpu.memory_space<hbm>> -> memref<10240x128xf32, #tpu.memory_space<hbm>>
      tpu.enqueue_indirect_dma source(%dma_start3A_46 : memref<10240x128xf32, #tpu.memory_space<hbm>>) target(%arg12 : memref<128x128xf32, #tpu.memory_space<vmem>>) offsets(%arg8 : memref<128xi32, #tpu.memory_space<vmem>>) semaphore(%arg14 : memref<!tpu.dma_semaphore, #tpu.memory_space<semaphore_mem>>)
      %dma_wait3A_47 = arith.constant 0 : i32
      %dma_wait3A_48 = arith.constant 0 : i32
      %dma_wait3A_49 = tpu.memref_slice %arg2[%dma_wait3A_47, %dma_wait3A_48] : memref<10240x128xf32, #tpu.memory_space<hbm>> -> memref<10240x128xf32, #tpu.memory_space<hbm>>
      tpu.wait_indirect_dma semaphore(%arg15 : memref<!tpu.dma_semaphore, #tpu.memory_space<semaphore_mem>>) src(%dma_wait3A_49 : memref<10240x128xf32, #tpu.memory_space<hbm>>) dst(%arg13 : memref<128x128xf32, #tpu.memory_space<vmem>>)
      "tpu.region"() ({
        %run_scoped3A = tpu.sem_alloc : memref<!tpu.dma_semaphore, #tpu.memory_space<semaphore_mem>>
        %dma_start3A_58 = arith.constant 0 : i32
        %dma_start3A_59 = arith.constant 0 : i32
        %dma_start3A_60 = tpu.memref_slice %arg7[%dma_start3A_58, %dma_start3A_59] : memref<10240x128xf32, #tpu.memory_space<vmem_shared>> -> memref<10240x128xf32, #tpu.memory_space<vmem_shared>>
        tpu.enqueue_indirect_dma source(%arg13 : memref<128x128xf32, #tpu.memory_space<vmem>>) target(%dma_start3A_60 : memref<10240x128xf32, #tpu.memory_space<vmem_shared>>) offsets(%arg11 : memref<128xi32, #tpu.memory_space<vmem>>) semaphore(%run_scoped3A : memref<!tpu.dma_semaphore, #tpu.memory_space<semaphore_mem>>) {add = true}
        %dma_wait3A_61 = arith.constant 0 : i32
        %dma_wait3A_62 = arith.constant 0 : i32
        %dma_wait3A_63 = tpu.memref_slice %arg7[%dma_wait3A_61, %dma_wait3A_62] : memref<10240x128xf32, #tpu.memory_space<vmem_shared>> -> memref<10240x128xf32, #tpu.memory_space<vmem_shared>>
        tpu.wait_indirect_dma semaphore(%run_scoped3A : memref<!tpu.dma_semaphore, #tpu.memory_space<semaphore_mem>>) src(%arg13 : memref<128x128xf32, #tpu.memory_space<vmem>>) dst(%dma_wait3A_63 : memref<10240x128xf32, #tpu.memory_space<vmem_shared>>)
        tpu.yield
      }) : () -> ()
      %add3A_50 = arith.constant 3 : i32
      %add3A_51 = arith.addi %mul3A_35, %add3A_50 : i32
      %mul3A_52 = arith.constant 128 : i32
      %mul3A_53 = arith.muli %add3A_51, %mul3A_52 : i32
      %add3A_54 = arith.addi %mul3A_4, %mul3A_53 : i32
      "tpu.region"() ({
        %run_scoped3A = tpu.sem_alloc : memref<!tpu.dma_semaphore, #tpu.memory_space<semaphore_mem>>
        %dma_start3A_58 = tpu.memref_slice %arg3[%add3A_54] : memref<327680xi32, #tpu.memory_space<hbm>> -> memref<128xi32, #tpu.memory_space<hbm>>
        %dma_start3A_59 = tpu.memref_slice %arg3[%add3A_54] : memref<327680xi32, #tpu.memory_space<hbm>> -> memref<128xi32, #tpu.memory_space<hbm>>
        tpu.enqueue_dma source(%dma_start3A_59 : memref<128xi32, #tpu.memory_space<hbm>>) target(%arg10 : memref<128xi32, #tpu.memory_space<vmem>>) target_semaphore(%run_scoped3A : memref<!tpu.dma_semaphore, #tpu.memory_space<semaphore_mem>>)
        %dma_wait3A_60 = tpu.memref_slice %arg3[%add3A_54] : memref<327680xi32, #tpu.memory_space<hbm>> -> memref<128xi32, #tpu.memory_space<hbm>>
        %dma_wait3A_61 = tpu.memref_slice %arg3[%add3A_54] : memref<327680xi32, #tpu.memory_space<hbm>> -> memref<128xi32, #tpu.memory_space<hbm>>
        tpu.wait_dma2 semaphore(%run_scoped3A : memref<!tpu.dma_semaphore, #tpu.memory_space<semaphore_mem>>) src(%dma_wait3A_61 : memref<128xi32, #tpu.memory_space<hbm>>) dst(%arg10 : memref<128xi32, #tpu.memory_space<vmem>>)
        tpu.yield
      }) : () -> ()
      "tpu.region"() ({
        %run_scoped3A = tpu.sem_alloc : memref<!tpu.dma_semaphore, #tpu.memory_space<semaphore_mem>>
        %dma_start3A_58 = tpu.memref_slice %arg4[%add3A_54] : memref<327680xi32, #tpu.memory_space<hbm>> -> memref<128xi32, #tpu.memory_space<hbm>>
        %dma_start3A_59 = tpu.memref_slice %arg4[%add3A_54] : memref<327680xi32, #tpu.memory_space<hbm>> -> memref<128xi32, #tpu.memory_space<hbm>>
        tpu.enqueue_dma source(%dma_start3A_59 : memref<128xi32, #tpu.memory_space<hbm>>) target(%arg11 : memref<128xi32, #tpu.memory_space<vmem>>) target_semaphore(%run_scoped3A : memref<!tpu.dma_semaphore, #tpu.memory_space<semaphore_mem>>)
        %dma_wait3A_60 = tpu.memref_slice %arg4[%add3A_54] : memref<327680xi32, #tpu.memory_space<hbm>> -> memref<128xi32, #tpu.memory_space<hbm>>
        %dma_wait3A_61 = tpu.memref_slice %arg4[%add3A_54] : memref<327680xi32, #tpu.memory_space<hbm>> -> memref<128xi32, #tpu.memory_space<hbm>>
        tpu.wait_dma2 semaphore(%run_scoped3A : memref<!tpu.dma_semaphore, #tpu.memory_space<semaphore_mem>>) src(%dma_wait3A_61 : memref<128xi32, #tpu.memory_space<hbm>>) dst(%arg11 : memref<128xi32, #tpu.memory_space<vmem>>)
        tpu.yield
      }) : () -> ()
      %dma_start3A_55 = arith.constant 0 : i32
      %dma_start3A_56 = arith.constant 0 : i32
      %dma_start3A_57 = tpu.memref_slice %arg2[%dma_start3A_55, %dma_start3A_56] : memref<10240x128xf32, #tpu.memory_space<hbm>> -> memref<10240x128xf32, #tpu.memory_space<hbm>>
      tpu.enqueue_indirect_dma source(%dma_start3A_57 : memref<10240x128xf32, #tpu.memory_space<hbm>>) target(%arg13 : memref<128x128xf32, #tpu.memory_space<vmem>>) offsets(%arg10 : memref<128xi32, #tpu.memory_space<vmem>>) semaphore(%arg15 : memref<!tpu.dma_semaphore, #tpu.memory_space<semaphore_mem>>)
    }
    %scan3A_22 = arith.constant 39 : i32
    %dma_wait3A = arith.constant 0 : i32
    %dma_wait3A_23 = arith.constant 0 : i32
    %dma_wait3A_24 = tpu.memref_slice %arg2[%dma_wait3A, %dma_wait3A_23] : memref<10240x128xf32, #tpu.memory_space<hbm>> -> memref<10240x128xf32, #tpu.memory_space<hbm>>
    tpu.wait_indirect_dma semaphore(%arg14 : memref<!tpu.dma_semaphore, #tpu.memory_space<semaphore_mem>>) src(%dma_wait3A_24 : memref<10240x128xf32, #tpu.memory_space<hbm>>) dst(%arg12 : memref<128x128xf32, #tpu.memory_space<vmem>>)
    "tpu.region"() ({
      %run_scoped3A = tpu.sem_alloc : memref<!tpu.dma_semaphore, #tpu.memory_space<semaphore_mem>>
      %dma_start3A_33 = arith.constant 0 : i32
      %dma_start3A_34 = arith.constant 0 : i32
      %dma_start3A_35 = tpu.memref_slice %arg7[%dma_start3A_33, %dma_start3A_34] : memref<10240x128xf32, #tpu.memory_space<vmem_shared>> -> memref<10240x128xf32, #tpu.memory_space<vmem_shared>>
      tpu.enqueue_indirect_dma source(%arg12 : memref<128x128xf32, #tpu.memory_space<vmem>>) target(%dma_start3A_35 : memref<10240x128xf32, #tpu.memory_space<vmem_shared>>) offsets(%arg9 : memref<128xi32, #tpu.memory_space<vmem>>) semaphore(%run_scoped3A : memref<!tpu.dma_semaphore, #tpu.memory_space<semaphore_mem>>) {add = true}
      %dma_wait3A_36 = arith.constant 0 : i32
      %dma_wait3A_37 = arith.constant 0 : i32
      %dma_wait3A_38 = tpu.memref_slice %arg7[%dma_wait3A_36, %dma_wait3A_37] : memref<10240x128xf32, #tpu.memory_space<vmem_shared>> -> memref<10240x128xf32, #tpu.memory_space<vmem_shared>>
      tpu.wait_indirect_dma semaphore(%run_scoped3A : memref<!tpu.dma_semaphore, #tpu.memory_space<semaphore_mem>>) src(%arg12 : memref<128x128xf32, #tpu.memory_space<vmem>>) dst(%dma_wait3A_38 : memref<10240x128xf32, #tpu.memory_space<vmem_shared>>)
      tpu.yield
    }) : () -> ()
    %dma_wait3A_25 = arith.constant 0 : i32
    %dma_wait3A_26 = arith.constant 0 : i32
    %dma_wait3A_27 = tpu.memref_slice %arg2[%dma_wait3A_25, %dma_wait3A_26] : memref<10240x128xf32, #tpu.memory_space<hbm>> -> memref<10240x128xf32, #tpu.memory_space<hbm>>
    tpu.wait_indirect_dma semaphore(%arg15 : memref<!tpu.dma_semaphore, #tpu.memory_space<semaphore_mem>>) src(%dma_wait3A_27 : memref<10240x128xf32, #tpu.memory_space<hbm>>) dst(%arg13 : memref<128x128xf32, #tpu.memory_space<vmem>>)
    "tpu.region"() ({
      %run_scoped3A = tpu.sem_alloc : memref<!tpu.dma_semaphore, #tpu.memory_space<semaphore_mem>>
      %dma_start3A_33 = arith.constant 0 : i32
      %dma_start3A_34 = arith.constant 0 : i32
      %dma_start3A_35 = tpu.memref_slice %arg7[%dma_start3A_33, %dma_start3A_34] : memref<10240x128xf32, #tpu.memory_space<vmem_shared>> -> memref<10240x128xf32, #tpu.memory_space<vmem_shared>>
      tpu.enqueue_indirect_dma source(%arg13 : memref<128x128xf32, #tpu.memory_space<vmem>>) target(%dma_start3A_35 : memref<10240x128xf32, #tpu.memory_space<vmem_shared>>) offsets(%arg11 : memref<128xi32, #tpu.memory_space<vmem>>) semaphore(%run_scoped3A : memref<!tpu.dma_semaphore, #tpu.memory_space<semaphore_mem>>) {add = true}
      %dma_wait3A_36 = arith.constant 0 : i32
      %dma_wait3A_37 = arith.constant 0 : i32
      %dma_wait3A_38 = tpu.memref_slice %arg7[%dma_wait3A_36, %dma_wait3A_37] : memref<10240x128xf32, #tpu.memory_space<vmem_shared>> -> memref<10240x128xf32, #tpu.memory_space<vmem_shared>>
      tpu.wait_indirect_dma semaphore(%run_scoped3A : memref<!tpu.dma_semaphore, #tpu.memory_space<semaphore_mem>>) src(%arg13 : memref<128x128xf32, #tpu.memory_space<vmem>>) dst(%dma_wait3A_38 : memref<10240x128xf32, #tpu.memory_space<vmem_shared>>)
      tpu.yield
    }) : () -> ()
    %barrier3A_28 = arith.constant 0 : index
    tpu.barrier barrier_id(%barrier3A_28)
    %mul3A_29 = arith.constant 640 : i32
    %mul3A_30 = arith.muli %arg1, %mul3A_29 : i32
    %mul3A_31 = arith.constant 640 : i32
    %mul3A_32 = arith.muli %arg1, %mul3A_31 : i32
    "tpu.region"() ({
      %run_scoped3A = tpu.sem_alloc : memref<!tpu.dma_semaphore, #tpu.memory_space<semaphore_mem>>
      %dma_start3A_33 = arith.constant 0 : i32
      %dma_start3A_34 = tpu.memref_slice %arg6[%arg0, %mul3A_32, %dma_start3A_33] : memref<2x10240x128xf32, #tpu.memory_space<hbm>> -> memref<1x640x128xf32, #tpu.memory_space<hbm>>
      %dma_start3A_35 = tpu.memref_squeeze %dma_start3A_34 : memref<1x640x128xf32, #tpu.memory_space<hbm>> -> memref<640x128xf32, #tpu.memory_space<hbm>>
      %dma_start3A_36 = arith.constant 0 : i32
      %dma_start3A_37 = tpu.memref_slice %arg7[%mul3A_30, %dma_start3A_36] : memref<10240x128xf32, #tpu.memory_space<vmem_shared>> -> memref<640x128xf32, #tpu.memory_space<vmem_shared>>
      tpu.enqueue_dma source(%dma_start3A_37 : memref<640x128xf32, #tpu.memory_space<vmem_shared>>) target(%dma_start3A_35 : memref<640x128xf32, #tpu.memory_space<hbm>>) target_semaphore(%run_scoped3A : memref<!tpu.dma_semaphore, #tpu.memory_space<semaphore_mem>>)
      %dma_wait3A_38 = arith.constant 0 : i32
      %dma_wait3A_39 = tpu.memref_slice %arg6[%arg0, %mul3A_32, %dma_wait3A_38] : memref<2x10240x128xf32, #tpu.memory_space<hbm>> -> memref<1x640x128xf32, #tpu.memory_space<hbm>>
      %dma_wait3A_40 = tpu.memref_squeeze %dma_wait3A_39 : memref<1x640x128xf32, #tpu.memory_space<hbm>> -> memref<640x128xf32, #tpu.memory_space<hbm>>
      %dma_wait3A_41 = arith.constant 0 : i32
      %dma_wait3A_42 = tpu.memref_slice %arg7[%mul3A_30, %dma_wait3A_41] : memref<10240x128xf32, #tpu.memory_space<vmem_shared>> -> memref<640x128xf32, #tpu.memory_space<vmem_shared>>
      tpu.wait_dma2 semaphore(%run_scoped3A : memref<!tpu.dma_semaphore, #tpu.memory_space<semaphore_mem>>) src(%dma_wait3A_42 : memref<640x128xf32, #tpu.memory_space<vmem_shared>>) dst(%dma_wait3A_40 : memref<640x128xf32, #tpu.memory_space<hbm>>)
      tpu.yield
    }) : () -> ()
    return
  }
}

#map = affine_map<(d0, d1) -> (0, 0)>
#map1 = affine_map<(d0, d1) -> (0)>
#map2 = affine_map<(d0, d1) -> (0, 0, 0)>
module attributes {stable_mosaic.version = 14 : i64} {
  func.func @sc_agg(%arg0: i32, %arg1: i32, %arg2: memref<10240x128xf32, #tpu.memory_space<hbm>>, %arg3: memref<327680xi32, #tpu.memory_space<hbm>>, %arg4: memref<327680xi32, #tpu.memory_space<hbm>>, %arg5: memref<10240x128xf32, #tpu.memory_space<hbm>>, %arg6: memref<2x10240x128xf32, #tpu.memory_space<hbm>>, %arg7: memref<10240x128xf32, #tpu.memory_space<vmem_shared>>, %arg8: memref<128xi32, #tpu.memory_space<vmem>>, %arg9: memref<128xi32, #tpu.memory_space<vmem>>, %arg10: memref<128xi32, #tpu.memory_space<vmem>>, %arg11: memref<128xi32, #tpu.memory_space<vmem>>, %arg12: memref<128x128xf32, #tpu.memory_space<vmem>>, %arg13: memref<128x128xf32, #tpu.memory_space<vmem>>, %arg14: memref<!tpu.dma_semaphore, #tpu.memory_space<semaphore_mem>>, %arg15: memref<!tpu.dma_semaphore, #tpu.memory_space<semaphore_mem>>) attributes {dimension_semantics = [#tpu.dimension_semantics<core_parallel>, #tpu.dimension_semantics<subcore_parallel>], iteration_bounds = array<i64: 2, 16>, scalar_prefetch = 0 : i64, scratch_operands = 9 : i64, tpu.core_type = #tpu.core_type<sc_vector_subcore>, window_params = [{transform_indices = #map}, {transform_indices = #map1}, {transform_indices = #map1}, {transform_indices = #map}, {transform_indices = #map2}]} {
    %mul3A = arith.constant 16 : i32
    %mul3A_0 = arith.muli %arg0, %mul3A : i32
    %add3A = arith.addi %mul3A_0, %arg1 : i32
    %mul3A_1 = arith.constant 80 : i32
    %mul3A_2 = arith.muli %add3A, %mul3A_1 : i32
    %mul3A_3 = arith.constant 128 : i32
    %mul3A_4 = arith.muli %mul3A_2, %mul3A_3 : i32
    %mul3A_5 = arith.constant 640 : i32
    %mul3A_6 = arith.muli %arg1, %mul3A_5 : i32
    %mul3A_7 = arith.constant 640 : i32
    %mul3A_8 = arith.muli %arg1, %mul3A_7 : i32
    "tpu.region"() ({
      %run_scoped3A = tpu.sem_alloc : memref<!tpu.dma_semaphore, #tpu.memory_space<semaphore_mem>>
      %dma_start3A_33 = arith.constant 0 : i32
      %dma_start3A_34 = tpu.memref_slice %arg7[%mul3A_8, %dma_start3A_33] : memref<10240x128xf32, #tpu.memory_space<vmem_shared>> -> memref<640x128xf32, #tpu.memory_space<vmem_shared>>
      %dma_start3A_35 = arith.constant 0 : i32
      %dma_start3A_36 = tpu.memref_slice %arg5[%mul3A_6, %dma_start3A_35] : memref<10240x128xf32, #tpu.memory_space<hbm>> -> memref<640x128xf32, #tpu.memory_space<hbm>>
      tpu.enqueue_dma source(%dma_start3A_36 : memref<640x128xf32, #tpu.memory_space<hbm>>) target(%dma_start3A_34 : memref<640x128xf32, #tpu.memory_space<vmem_shared>>) target_semaphore(%run_scoped3A : memref<!tpu.dma_semaphore, #tpu.memory_space<semaphore_mem>>)
      %dma_wait3A_37 = arith.constant 0 : i32
      %dma_wait3A_38 = tpu.memref_slice %arg7[%mul3A_8, %dma_wait3A_37] : memref<10240x128xf32, #tpu.memory_space<vmem_shared>> -> memref<640x128xf32, #tpu.memory_space<vmem_shared>>
      %dma_wait3A_39 = arith.constant 0 : i32
      %dma_wait3A_40 = tpu.memref_slice %arg5[%mul3A_6, %dma_wait3A_39] : memref<10240x128xf32, #tpu.memory_space<hbm>> -> memref<640x128xf32, #tpu.memory_space<hbm>>
      tpu.wait_dma2 semaphore(%run_scoped3A : memref<!tpu.dma_semaphore, #tpu.memory_space<semaphore_mem>>) src(%dma_wait3A_40 : memref<640x128xf32, #tpu.memory_space<hbm>>) dst(%dma_wait3A_38 : memref<640x128xf32, #tpu.memory_space<vmem_shared>>)
      tpu.yield
    }) : () -> ()
    %barrier3A = arith.constant 0 : index
    tpu.barrier barrier_id(%barrier3A)
    "tpu.region"() ({
      %run_scoped3A = tpu.sem_alloc : memref<!tpu.dma_semaphore, #tpu.memory_space<semaphore_mem>>
      %dma_start3A_33 = tpu.memref_slice %arg3[%mul3A_4] : memref<327680xi32, #tpu.memory_space<hbm>> -> memref<128xi32, #tpu.memory_space<hbm>>
      %dma_start3A_34 = tpu.memref_slice %arg3[%mul3A_4] : memref<327680xi32, #tpu.memory_space<hbm>> -> memref<128xi32, #tpu.memory_space<hbm>>
      tpu.enqueue_dma source(%dma_start3A_34 : memref<128xi32, #tpu.memory_space<hbm>>) target(%arg8 : memref<128xi32, #tpu.memory_space<vmem>>) target_semaphore(%run_scoped3A : memref<!tpu.dma_semaphore, #tpu.memory_space<semaphore_mem>>)
      %dma_wait3A_35 = tpu.memref_slice %arg3[%mul3A_4] : memref<327680xi32, #tpu.memory_space<hbm>> -> memref<128xi32, #tpu.memory_space<hbm>>
      %dma_wait3A_36 = tpu.memref_slice %arg3[%mul3A_4] : memref<327680xi32, #tpu.memory_space<hbm>> -> memref<128xi32, #tpu.memory_space<hbm>>
      tpu.wait_dma2 semaphore(%run_scoped3A : memref<!tpu.dma_semaphore, #tpu.memory_space<semaphore_mem>>) src(%dma_wait3A_36 : memref<128xi32, #tpu.memory_space<hbm>>) dst(%arg8 : memref<128xi32, #tpu.memory_space<vmem>>)
      tpu.yield
    }) : () -> ()
    "tpu.region"() ({
      %run_scoped3A = tpu.sem_alloc : memref<!tpu.dma_semaphore, #tpu.memory_space<semaphore_mem>>
      %dma_start3A_33 = tpu.memref_slice %arg4[%mul3A_4] : memref<327680xi32, #tpu.memory_space<hbm>> -> memref<128xi32, #tpu.memory_space<hbm>>
      %dma_start3A_34 = tpu.memref_slice %arg4[%mul3A_4] : memref<327680xi32, #tpu.memory_space<hbm>> -> memref<128xi32, #tpu.memory_space<hbm>>
      tpu.enqueue_dma source(%dma_start3A_34 : memref<128xi32, #tpu.memory_space<hbm>>) target(%arg9 : memref<128xi32, #tpu.memory_space<vmem>>) target_semaphore(%run_scoped3A : memref<!tpu.dma_semaphore, #tpu.memory_space<semaphore_mem>>)
      %dma_wait3A_35 = tpu.memref_slice %arg4[%mul3A_4] : memref<327680xi32, #tpu.memory_space<hbm>> -> memref<128xi32, #tpu.memory_space<hbm>>
      %dma_wait3A_36 = tpu.memref_slice %arg4[%mul3A_4] : memref<327680xi32, #tpu.memory_space<hbm>> -> memref<128xi32, #tpu.memory_space<hbm>>
      tpu.wait_dma2 semaphore(%run_scoped3A : memref<!tpu.dma_semaphore, #tpu.memory_space<semaphore_mem>>) src(%dma_wait3A_36 : memref<128xi32, #tpu.memory_space<hbm>>) dst(%arg9 : memref<128xi32, #tpu.memory_space<vmem>>)
      tpu.yield
    }) : () -> ()
    %dma_start3A = arith.constant 0 : i32
    %dma_start3A_9 = arith.constant 0 : i32
    %dma_start3A_10 = tpu.memref_slice %arg2[%dma_start3A, %dma_start3A_9] : memref<10240x128xf32, #tpu.memory_space<hbm>> -> memref<10240x128xf32, #tpu.memory_space<hbm>>
    tpu.enqueue_indirect_dma source(%dma_start3A_10 : memref<10240x128xf32, #tpu.memory_space<hbm>>) target(%arg12 : memref<128x128xf32, #tpu.memory_space<vmem>>) offsets(%arg8 : memref<128xi32, #tpu.memory_space<vmem>>) semaphore(%arg14 : memref<!tpu.dma_semaphore, #tpu.memory_space<semaphore_mem>>)
    %add3A_11 = arith.constant 128 : i32
    %add3A_12 = arith.addi %mul3A_4, %add3A_11 : i32
    "tpu.region"() ({
      %run_scoped3A = tpu.sem_alloc : memref<!tpu.dma_semaphore, #tpu.memory_space<semaphore_mem>>
      %dma_start3A_33 = tpu.memref_slice %arg3[%add3A_12] : memref<327680xi32, #tpu.memory_space<hbm>> -> memref<128xi32, #tpu.memory_space<hbm>>
      %dma_start3A_34 = tpu.memref_slice %arg3[%add3A_12] : memref<327680xi32, #tpu.memory_space<hbm>> -> memref<128xi32, #tpu.memory_space<hbm>>
      tpu.enqueue_dma source(%dma_start3A_34 : memref<128xi32, #tpu.memory_space<hbm>>) target(%arg10 : memref<128xi32, #tpu.memory_space<vmem>>) target_semaphore(%run_scoped3A : memref<!tpu.dma_semaphore, #tpu.memory_space<semaphore_mem>>)
      %dma_wait3A_35 = tpu.memref_slice %arg3[%add3A_12] : memref<327680xi32, #tpu.memory_space<hbm>> -> memref<128xi32, #tpu.memory_space<hbm>>
      %dma_wait3A_36 = tpu.memref_slice %arg3[%add3A_12] : memref<327680xi32, #tpu.memory_space<hbm>> -> memref<128xi32, #tpu.memory_space<hbm>>
      tpu.wait_dma2 semaphore(%run_scoped3A : memref<!tpu.dma_semaphore, #tpu.memory_space<semaphore_mem>>) src(%dma_wait3A_36 : memref<128xi32, #tpu.memory_space<hbm>>) dst(%arg10 : memref<128xi32, #tpu.memory_space<vmem>>)
      tpu.yield
    }) : () -> ()
    %add3A_13 = arith.constant 128 : i32
    %add3A_14 = arith.addi %mul3A_4, %add3A_13 : i32
    "tpu.region"() ({
      %run_scoped3A = tpu.sem_alloc : memref<!tpu.dma_semaphore, #tpu.memory_space<semaphore_mem>>
      %dma_start3A_33 = tpu.memref_slice %arg4[%add3A_14] : memref<327680xi32, #tpu.memory_space<hbm>> -> memref<128xi32, #tpu.memory_space<hbm>>
      %dma_start3A_34 = tpu.memref_slice %arg4[%add3A_14] : memref<327680xi32, #tpu.memory_space<hbm>> -> memref<128xi32, #tpu.memory_space<hbm>>
      tpu.enqueue_dma source(%dma_start3A_34 : memref<128xi32, #tpu.memory_space<hbm>>) target(%arg11 : memref<128xi32, #tpu.memory_space<vmem>>) target_semaphore(%run_scoped3A : memref<!tpu.dma_semaphore, #tpu.memory_space<semaphore_mem>>)
      %dma_wait3A_35 = tpu.memref_slice %arg4[%add3A_14] : memref<327680xi32, #tpu.memory_space<hbm>> -> memref<128xi32, #tpu.memory_space<hbm>>
      %dma_wait3A_36 = tpu.memref_slice %arg4[%add3A_14] : memref<327680xi32, #tpu.memory_space<hbm>> -> memref<128xi32, #tpu.memory_space<hbm>>
      tpu.wait_dma2 semaphore(%run_scoped3A : memref<!tpu.dma_semaphore, #tpu.memory_space<semaphore_mem>>) src(%dma_wait3A_36 : memref<128xi32, #tpu.memory_space<hbm>>) dst(%arg11 : memref<128xi32, #tpu.memory_space<vmem>>)
      tpu.yield
    }) : () -> ()
    %dma_start3A_15 = arith.constant 0 : i32
    %dma_start3A_16 = arith.constant 0 : i32
    %dma_start3A_17 = tpu.memref_slice %arg2[%dma_start3A_15, %dma_start3A_16] : memref<10240x128xf32, #tpu.memory_space<hbm>> -> memref<10240x128xf32, #tpu.memory_space<hbm>>
    tpu.enqueue_indirect_dma source(%dma_start3A_17 : memref<10240x128xf32, #tpu.memory_space<hbm>>) target(%arg13 : memref<128x128xf32, #tpu.memory_space<vmem>>) offsets(%arg10 : memref<128xi32, #tpu.memory_space<vmem>>) semaphore(%arg15 : memref<!tpu.dma_semaphore, #tpu.memory_space<semaphore_mem>>)
    %scan3A = arith.constant 0 : i32
    %scan3A_18 = arith.constant 0 : i32
    %scan3A_19 = arith.constant 39 : i32
    %scan3A_20 = arith.addi %scan3A_18, %scan3A_19 : i32
    %scan3A_21 = arith.constant 1 : i32
    scf.for %scan3A_33 = %scan3A_18 to %scan3A_20 step %scan3A_21  : i32 {
      %mul3A_34 = arith.constant 2 : i32
      %mul3A_35 = arith.muli %mul3A_34, %scan3A_33 : i32
      %dma_wait3A_36 = arith.constant 0 : i32
      %dma_wait3A_37 = arith.constant 0 : i32
      %dma_wait3A_38 = tpu.memref_slice %arg2[%dma_wait3A_36, %dma_wait3A_37] : memref<10240x128xf32, #tpu.memory_space<hbm>> -> memref<10240x128xf32, #tpu.memory_space<hbm>>
      tpu.wait_indirect_dma semaphore(%arg14 : memref<!tpu.dma_semaphore, #tpu.memory_space<semaphore_mem>>) src(%dma_wait3A_38 : memref<10240x128xf32, #tpu.memory_space<hbm>>) dst(%arg12 : memref<128x128xf32, #tpu.memory_space<vmem>>)
      "tpu.region"() ({
        %run_scoped3A = tpu.sem_alloc : memref<!tpu.dma_semaphore, #tpu.memory_space<semaphore_mem>>
        %dma_start3A_58 = arith.constant 0 : i32
        %dma_start3A_59 = arith.constant 0 : i32
        %dma_start3A_60 = tpu.memref_slice %arg7[%dma_start3A_58, %dma_start3A_59] : memref<10240x128xf32, #tpu.memory_space<vmem_shared>> -> memref<10240x128xf32, #tpu.memory_space<vmem_shared>>
        tpu.enqueue_indirect_dma source(%arg12 : memref<128x128xf32, #tpu.memory_space<vmem>>) target(%dma_start3A_60 : memref<10240x128xf32, #tpu.memory_space<vmem_shared>>) offsets(%arg9 : memref<128xi32, #tpu.memory_space<vmem>>) semaphore(%run_scoped3A : memref<!tpu.dma_semaphore, #tpu.memory_space<semaphore_mem>>) {add = true}
        %dma_wait3A_61 = arith.constant 0 : i32
        %dma_wait3A_62 = arith.constant 0 : i32
        %dma_wait3A_63 = tpu.memref_slice %arg7[%dma_wait3A_61, %dma_wait3A_62] : memref<10240x128xf32, #tpu.memory_space<vmem_shared>> -> memref<10240x128xf32, #tpu.memory_space<vmem_shared>>
        tpu.wait_indirect_dma semaphore(%run_scoped3A : memref<!tpu.dma_semaphore, #tpu.memory_space<semaphore_mem>>) src(%arg12 : memref<128x128xf32, #tpu.memory_space<vmem>>) dst(%dma_wait3A_63 : memref<10240x128xf32, #tpu.memory_space<vmem_shared>>)
        tpu.yield
      }) : () -> ()
      %add3A_39 = arith.constant 2 : i32
      %add3A_40 = arith.addi %mul3A_35, %add3A_39 : i32
      %mul3A_41 = arith.constant 128 : i32
      %mul3A_42 = arith.muli %add3A_40, %mul3A_41 : i32
      %add3A_43 = arith.addi %mul3A_4, %mul3A_42 : i32
      "tpu.region"() ({
        %run_scoped3A = tpu.sem_alloc : memref<!tpu.dma_semaphore, #tpu.memory_space<semaphore_mem>>
        %dma_start3A_58 = tpu.memref_slice %arg3[%add3A_43] : memref<327680xi32, #tpu.memory_space<hbm>> -> memref<128xi32, #tpu.memory_space<hbm>>
        %dma_start3A_59 = tpu.memref_slice %arg3[%add3A_43] : memref<327680xi32, #tpu.memory_space<hbm>> -> memref<128xi32, #tpu.memory_space<hbm>>
        tpu.enqueue_dma source(%dma_start3A_59 : memref<128xi32, #tpu.memory_space<hbm>>) target(%arg8 : memref<128xi32, #tpu.memory_space<vmem>>) target_semaphore(%run_scoped3A : memref<!tpu.dma_semaphore, #tpu.memory_space<semaphore_mem>>)
        %dma_wait3A_60 = tpu.memref_slice %arg3[%add3A_43] : memref<327680xi32, #tpu.memory_space<hbm>> -> memref<128xi32, #tpu.memory_space<hbm>>
        %dma_wait3A_61 = tpu.memref_slice %arg3[%add3A_43] : memref<327680xi32, #tpu.memory_space<hbm>> -> memref<128xi32, #tpu.memory_space<hbm>>
        tpu.wait_dma2 semaphore(%run_scoped3A : memref<!tpu.dma_semaphore, #tpu.memory_space<semaphore_mem>>) src(%dma_wait3A_61 : memref<128xi32, #tpu.memory_space<hbm>>) dst(%arg8 : memref<128xi32, #tpu.memory_space<vmem>>)
        tpu.yield
      }) : () -> ()
      "tpu.region"() ({
        %run_scoped3A = tpu.sem_alloc : memref<!tpu.dma_semaphore, #tpu.memory_space<semaphore_mem>>
        %dma_start3A_58 = tpu.memref_slice %arg4[%add3A_43] : memref<327680xi32, #tpu.memory_space<hbm>> -> memref<128xi32, #tpu.memory_space<hbm>>
        %dma_start3A_59 = tpu.memref_slice %arg4[%add3A_43] : memref<327680xi32, #tpu.memory_space<hbm>> -> memref<128xi32, #tpu.memory_space<hbm>>
        tpu.enqueue_dma source(%dma_start3A_59 : memref<128xi32, #tpu.memory_space<hbm>>) target(%arg9 : memref<128xi32, #tpu.memory_space<vmem>>) target_semaphore(%run_scoped3A : memref<!tpu.dma_semaphore, #tpu.memory_space<semaphore_mem>>)
        %dma_wait3A_60 = tpu.memref_slice %arg4[%add3A_43] : memref<327680xi32, #tpu.memory_space<hbm>> -> memref<128xi32, #tpu.memory_space<hbm>>
        %dma_wait3A_61 = tpu.memref_slice %arg4[%add3A_43] : memref<327680xi32, #tpu.memory_space<hbm>> -> memref<128xi32, #tpu.memory_space<hbm>>
        tpu.wait_dma2 semaphore(%run_scoped3A : memref<!tpu.dma_semaphore, #tpu.memory_space<semaphore_mem>>) src(%dma_wait3A_61 : memref<128xi32, #tpu.memory_space<hbm>>) dst(%arg9 : memref<128xi32, #tpu.memory_space<vmem>>)
        tpu.yield
      }) : () -> ()
      %dma_start3A_44 = arith.constant 0 : i32
      %dma_start3A_45 = arith.constant 0 : i32
      %dma_start3A_46 = tpu.memref_slice %arg2[%dma_start3A_44, %dma_start3A_45] : memref<10240x128xf32, #tpu.memory_space<hbm>> -> memref<10240x128xf32, #tpu.memory_space<hbm>>
      tpu.enqueue_indirect_dma source(%dma_start3A_46 : memref<10240x128xf32, #tpu.memory_space<hbm>>) target(%arg12 : memref<128x128xf32, #tpu.memory_space<vmem>>) offsets(%arg8 : memref<128xi32, #tpu.memory_space<vmem>>) semaphore(%arg14 : memref<!tpu.dma_semaphore, #tpu.memory_space<semaphore_mem>>)
      %dma_wait3A_47 = arith.constant 0 : i32
      %dma_wait3A_48 = arith.constant 0 : i32
      %dma_wait3A_49 = tpu.memref_slice %arg2[%dma_wait3A_47, %dma_wait3A_48] : memref<10240x128xf32, #tpu.memory_space<hbm>> -> memref<10240x128xf32, #tpu.memory_space<hbm>>
      tpu.wait_indirect_dma semaphore(%arg15 : memref<!tpu.dma_semaphore, #tpu.memory_space<semaphore_mem>>) src(%dma_wait3A_49 : memref<10240x128xf32, #tpu.memory_space<hbm>>) dst(%arg13 : memref<128x128xf32, #tpu.memory_space<vmem>>)
      "tpu.region"() ({
        %run_scoped3A = tpu.sem_alloc : memref<!tpu.dma_semaphore, #tpu.memory_space<semaphore_mem>>
        %dma_start3A_58 = arith.constant 0 : i32
        %dma_start3A_59 = arith.constant 0 : i32
        %dma_start3A_60 = tpu.memref_slice %arg7[%dma_start3A_58, %dma_start3A_59] : memref<10240x128xf32, #tpu.memory_space<vmem_shared>> -> memref<10240x128xf32, #tpu.memory_space<vmem_shared>>
        tpu.enqueue_indirect_dma source(%arg13 : memref<128x128xf32, #tpu.memory_space<vmem>>) target(%dma_start3A_60 : memref<10240x128xf32, #tpu.memory_space<vmem_shared>>) offsets(%arg11 : memref<128xi32, #tpu.memory_space<vmem>>) semaphore(%run_scoped3A : memref<!tpu.dma_semaphore, #tpu.memory_space<semaphore_mem>>) {add = true}
        %dma_wait3A_61 = arith.constant 0 : i32
        %dma_wait3A_62 = arith.constant 0 : i32
        %dma_wait3A_63 = tpu.memref_slice %arg7[%dma_wait3A_61, %dma_wait3A_62] : memref<10240x128xf32, #tpu.memory_space<vmem_shared>> -> memref<10240x128xf32, #tpu.memory_space<vmem_shared>>
        tpu.wait_indirect_dma semaphore(%run_scoped3A : memref<!tpu.dma_semaphore, #tpu.memory_space<semaphore_mem>>) src(%arg13 : memref<128x128xf32, #tpu.memory_space<vmem>>) dst(%dma_wait3A_63 : memref<10240x128xf32, #tpu.memory_space<vmem_shared>>)
        tpu.yield
      }) : () -> ()
      %add3A_50 = arith.constant 3 : i32
      %add3A_51 = arith.addi %mul3A_35, %add3A_50 : i32
      %mul3A_52 = arith.constant 128 : i32
      %mul3A_53 = arith.muli %add3A_51, %mul3A_52 : i32
      %add3A_54 = arith.addi %mul3A_4, %mul3A_53 : i32
      "tpu.region"() ({
        %run_scoped3A = tpu.sem_alloc : memref<!tpu.dma_semaphore, #tpu.memory_space<semaphore_mem>>
        %dma_start3A_58 = tpu.memref_slice %arg3[%add3A_54] : memref<327680xi32, #tpu.memory_space<hbm>> -> memref<128xi32, #tpu.memory_space<hbm>>
        %dma_start3A_59 = tpu.memref_slice %arg3[%add3A_54] : memref<327680xi32, #tpu.memory_space<hbm>> -> memref<128xi32, #tpu.memory_space<hbm>>
        tpu.enqueue_dma source(%dma_start3A_59 : memref<128xi32, #tpu.memory_space<hbm>>) target(%arg10 : memref<128xi32, #tpu.memory_space<vmem>>) target_semaphore(%run_scoped3A : memref<!tpu.dma_semaphore, #tpu.memory_space<semaphore_mem>>)
        %dma_wait3A_60 = tpu.memref_slice %arg3[%add3A_54] : memref<327680xi32, #tpu.memory_space<hbm>> -> memref<128xi32, #tpu.memory_space<hbm>>
        %dma_wait3A_61 = tpu.memref_slice %arg3[%add3A_54] : memref<327680xi32, #tpu.memory_space<hbm>> -> memref<128xi32, #tpu.memory_space<hbm>>
        tpu.wait_dma2 semaphore(%run_scoped3A : memref<!tpu.dma_semaphore, #tpu.memory_space<semaphore_mem>>) src(%dma_wait3A_61 : memref<128xi32, #tpu.memory_space<hbm>>) dst(%arg10 : memref<128xi32, #tpu.memory_space<vmem>>)
        tpu.yield
      }) : () -> ()
      "tpu.region"() ({
        %run_scoped3A = tpu.sem_alloc : memref<!tpu.dma_semaphore, #tpu.memory_space<semaphore_mem>>
        %dma_start3A_58 = tpu.memref_slice %arg4[%add3A_54] : memref<327680xi32, #tpu.memory_space<hbm>> -> memref<128xi32, #tpu.memory_space<hbm>>
        %dma_start3A_59 = tpu.memref_slice %arg4[%add3A_54] : memref<327680xi32, #tpu.memory_space<hbm>> -> memref<128xi32, #tpu.memory_space<hbm>>
        tpu.enqueue_dma source(%dma_start3A_59 : memref<128xi32, #tpu.memory_space<hbm>>) target(%arg11 : memref<128xi32, #tpu.memory_space<vmem>>) target_semaphore(%run_scoped3A : memref<!tpu.dma_semaphore, #tpu.memory_space<semaphore_mem>>)
        %dma_wait3A_60 = tpu.memref_slice %arg4[%add3A_54] : memref<327680xi32, #tpu.memory_space<hbm>> -> memref<128xi32, #tpu.memory_space<hbm>>
        %dma_wait3A_61 = tpu.memref_slice %arg4[%add3A_54] : memref<327680xi32, #tpu.memory_space<hbm>> -> memref<128xi32, #tpu.memory_space<hbm>>
        tpu.wait_dma2 semaphore(%run_scoped3A : memref<!tpu.dma_semaphore, #tpu.memory_space<semaphore_mem>>) src(%dma_wait3A_61 : memref<128xi32, #tpu.memory_space<hbm>>) dst(%arg11 : memref<128xi32, #tpu.memory_space<vmem>>)
        tpu.yield
      }) : () -> ()
      %dma_start3A_55 = arith.constant 0 : i32
      %dma_start3A_56 = arith.constant 0 : i32
      %dma_start3A_57 = tpu.memref_slice %arg2[%dma_start3A_55, %dma_start3A_56] : memref<10240x128xf32, #tpu.memory_space<hbm>> -> memref<10240x128xf32, #tpu.memory_space<hbm>>
      tpu.enqueue_indirect_dma source(%dma_start3A_57 : memref<10240x128xf32, #tpu.memory_space<hbm>>) target(%arg13 : memref<128x128xf32, #tpu.memory_space<vmem>>) offsets(%arg10 : memref<128xi32, #tpu.memory_space<vmem>>) semaphore(%arg15 : memref<!tpu.dma_semaphore, #tpu.memory_space<semaphore_mem>>)
    }
    %scan3A_22 = arith.constant 39 : i32
    %dma_wait3A = arith.constant 0 : i32
    %dma_wait3A_23 = arith.constant 0 : i32
    %dma_wait3A_24 = tpu.memref_slice %arg2[%dma_wait3A, %dma_wait3A_23] : memref<10240x128xf32, #tpu.memory_space<hbm>> -> memref<10240x128xf32, #tpu.memory_space<hbm>>
    tpu.wait_indirect_dma semaphore(%arg14 : memref<!tpu.dma_semaphore, #tpu.memory_space<semaphore_mem>>) src(%dma_wait3A_24 : memref<10240x128xf32, #tpu.memory_space<hbm>>) dst(%arg12 : memref<128x128xf32, #tpu.memory_space<vmem>>)
    "tpu.region"() ({
      %run_scoped3A = tpu.sem_alloc : memref<!tpu.dma_semaphore, #tpu.memory_space<semaphore_mem>>
      %dma_start3A_33 = arith.constant 0 : i32
      %dma_start3A_34 = arith.constant 0 : i32
      %dma_start3A_35 = tpu.memref_slice %arg7[%dma_start3A_33, %dma_start3A_34] : memref<10240x128xf32, #tpu.memory_space<vmem_shared>> -> memref<10240x128xf32, #tpu.memory_space<vmem_shared>>
      tpu.enqueue_indirect_dma source(%arg12 : memref<128x128xf32, #tpu.memory_space<vmem>>) target(%dma_start3A_35 : memref<10240x128xf32, #tpu.memory_space<vmem_shared>>) offsets(%arg9 : memref<128xi32, #tpu.memory_space<vmem>>) semaphore(%run_scoped3A : memref<!tpu.dma_semaphore, #tpu.memory_space<semaphore_mem>>) {add = true}
      %dma_wait3A_36 = arith.constant 0 : i32
      %dma_wait3A_37 = arith.constant 0 : i32
      %dma_wait3A_38 = tpu.memref_slice %arg7[%dma_wait3A_36, %dma_wait3A_37] : memref<10240x128xf32, #tpu.memory_space<vmem_shared>> -> memref<10240x128xf32, #tpu.memory_space<vmem_shared>>
      tpu.wait_indirect_dma semaphore(%run_scoped3A : memref<!tpu.dma_semaphore, #tpu.memory_space<semaphore_mem>>) src(%arg12 : memref<128x128xf32, #tpu.memory_space<vmem>>) dst(%dma_wait3A_38 : memref<10240x128xf32, #tpu.memory_space<vmem_shared>>)
      tpu.yield
    }) : () -> ()
    %dma_wait3A_25 = arith.constant 0 : i32
    %dma_wait3A_26 = arith.constant 0 : i32
    %dma_wait3A_27 = tpu.memref_slice %arg2[%dma_wait3A_25, %dma_wait3A_26] : memref<10240x128xf32, #tpu.memory_space<hbm>> -> memref<10240x128xf32, #tpu.memory_space<hbm>>
    tpu.wait_indirect_dma semaphore(%arg15 : memref<!tpu.dma_semaphore, #tpu.memory_space<semaphore_mem>>) src(%dma_wait3A_27 : memref<10240x128xf32, #tpu.memory_space<hbm>>) dst(%arg13 : memref<128x128xf32, #tpu.memory_space<vmem>>)
    "tpu.region"() ({
      %run_scoped3A = tpu.sem_alloc : memref<!tpu.dma_semaphore, #tpu.memory_space<semaphore_mem>>
      %dma_start3A_33 = arith.constant 0 : i32
      %dma_start3A_34 = arith.constant 0 : i32
      %dma_start3A_35 = tpu.memref_slice %arg7[%dma_start3A_33, %dma_start3A_34] : memref<10240x128xf32, #tpu.memory_space<vmem_shared>> -> memref<10240x128xf32, #tpu.memory_space<vmem_shared>>
      tpu.enqueue_indirect_dma source(%arg13 : memref<128x128xf32, #tpu.memory_space<vmem>>) target(%dma_start3A_35 : memref<10240x128xf32, #tpu.memory_space<vmem_shared>>) offsets(%arg11 : memref<128xi32, #tpu.memory_space<vmem>>) semaphore(%run_scoped3A : memref<!tpu.dma_semaphore, #tpu.memory_space<semaphore_mem>>) {add = true}
      %dma_wait3A_36 = arith.constant 0 : i32
      %dma_wait3A_37 = arith.constant 0 : i32
      %dma_wait3A_38 = tpu.memref_slice %arg7[%dma_wait3A_36, %dma_wait3A_37] : memref<10240x128xf32, #tpu.memory_space<vmem_shared>> -> memref<10240x128xf32, #tpu.memory_space<vmem_shared>>
      tpu.wait_indirect_dma semaphore(%run_scoped3A : memref<!tpu.dma_semaphore, #tpu.memory_space<semaphore_mem>>) src(%arg13 : memref<128x128xf32, #tpu.memory_space<vmem>>) dst(%dma_wait3A_38 : memref<10240x128xf32, #tpu.memory_space<vmem_shared>>)
      tpu.yield
    }) : () -> ()
    %barrier3A_28 = arith.constant 0 : index
    tpu.barrier barrier_id(%barrier3A_28)
    %mul3A_29 = arith.constant 640 : i32
    %mul3A_30 = arith.muli %arg1, %mul3A_29 : i32
    %mul3A_31 = arith.constant 640 : i32
    %mul3A_32 = arith.muli %arg1, %mul3A_31 : i32
    "tpu.region"() ({
      %run_scoped3A = tpu.sem_alloc : memref<!tpu.dma_semaphore, #tpu.memory_space<semaphore_mem>>
      %dma_start3A_33 = arith.constant 0 : i32
      %dma_start3A_34 = tpu.memref_slice %arg6[%arg0, %mul3A_32, %dma_start3A_33] : memref<2x10240x128xf32, #tpu.memory_space<hbm>> -> memref<1x640x128xf32, #tpu.memory_space<hbm>>
      %dma_start3A_35 = tpu.memref_squeeze %dma_start3A_34 : memref<1x640x128xf32, #tpu.memory_space<hbm>> -> memref<640x128xf32, #tpu.memory_space<hbm>>
      %dma_start3A_36 = arith.constant 0 : i32
      %dma_start3A_37 = tpu.memref_slice %arg7[%mul3A_30, %dma_start3A_36] : memref<10240x128xf32, #tpu.memory_space<vmem_shared>> -> memref<640x128xf32, #tpu.memory_space<vmem_shared>>
      tpu.enqueue_dma source(%dma_start3A_37 : memref<640x128xf32, #tpu.memory_space<vmem_shared>>) target(%dma_start3A_35 : memref<640x128xf32, #tpu.memory_space<hbm>>) target_semaphore(%run_scoped3A : memref<!tpu.dma_semaphore, #tpu.memory_space<semaphore_mem>>)
      %dma_wait3A_38 = arith.constant 0 : i32
      %dma_wait3A_39 = tpu.memref_slice %arg6[%arg0, %mul3A_32, %dma_wait3A_38] : memref<2x10240x128xf32, #tpu.memory_space<hbm>> -> memref<1x640x128xf32, #tpu.memory_space<hbm>>
      %dma_wait3A_40 = tpu.memref_squeeze %dma_wait3A_39 : memref<1x640x128xf32, #tpu.memory_space<hbm>> -> memref<640x128xf32, #tpu.memory_space<hbm>>
      %dma_wait3A_41 = arith.constant 0 : i32
      %dma_wait3A_42 = tpu.memref_slice %arg7[%mul3A_30, %dma_wait3A_41] : memref<10240x128xf32, #tpu.memory_space<vmem_shared>> -> memref<640x128xf32, #tpu.memory_space<vmem_shared>>
      tpu.wait_dma2 semaphore(%run_scoped3A : memref<!tpu.dma_semaphore, #tpu.memory_space<semaphore_mem>>) src(%dma_wait3A_42 : memref<640x128xf32, #tpu.memory_space<vmem_shared>>) dst(%dma_wait3A_40 : memref<640x128xf32, #tpu.memory_space<hbm>>)
      tpu.yield
    }) : () -> ()
    return
  }
}

module attributes {stable_mosaic.version = 14 : i64} {
  func.func @_tca_body(%arg0: i32, %arg1: memref<512x128xf32, #tpu.memory_space<vmem>>, %arg2: memref<128x128xf32, #tpu.memory_space<vmem>>, %arg3: memref<1x128xf32, #tpu.memory_space<vmem>>, %arg4: memref<128x128xf32, #tpu.memory_space<vmem>>, %arg5: memref<512x1xf32, #tpu.memory_space<vmem>>, %arg6: memref<512x1xf32, #tpu.memory_space<vmem>>, %arg7: memref<512x128xf32, #tpu.memory_space<vmem>>, %arg8: memref<512x128xf32, #tpu.memory_space<vmem>>) attributes {dimension_semantics = [#tpu.dimension_semantics<arbitrary>], iteration_bounds = array<i64: 20>, scalar_prefetch = 0 : i64, scratch_operands = 0 : i64, tpu.core_type = #tpu.core_type<tc>, window_params = [{transform_indices = @transform_0, window_bounds = array<i64: 512, 128>}, {pipeline_mode = #tpu.pipeline_mode<synchronous>, transform_indices = @transform_1, window_bounds = array<i64: 128, 128>}, {pipeline_mode = #tpu.pipeline_mode<synchronous>, transform_indices = @transform_2, window_bounds = array<i64: 1, 128>}, {pipeline_mode = #tpu.pipeline_mode<synchronous>, transform_indices = @transform_3, window_bounds = array<i64: 128, 128>}, {transform_indices = @transform_4, window_bounds = array<i64: 512, 1>}, {transform_indices = @transform_5, window_bounds = array<i64: 512, 1>}, {transform_indices = @transform_6, window_bounds = array<i64: 512, 128>}, {transform_indices = @transform_7, window_bounds = array<i64: 512, 128>}]} {
    %get3A = arith.constant 0 : index
    %get3A_0 = arith.constant 0 : index
    %get3A_1 = vector.load %arg1[%get3A, %get3A_0] : memref<512x128xf32, #tpu.memory_space<vmem>>, vector<512x128xf32>
    %get3A_2 = arith.constant 0 : index
    %get3A_3 = arith.constant 0 : index
    %get3A_4 = vector.load %arg2[%get3A_2, %get3A_3] : memref<128x128xf32, #tpu.memory_space<vmem>>, vector<128x128xf32>
    %dot_general3A = arith.constant dense<0.000000e+00> : vector<512x128xf32>
    %dot_general3A_5 = tpu.matmul %get3A_1, %get3A_4, %dot_general3A {dimension_numbers = #tpu.dot_dimension_numbers<[1], [0], [0], [1], [0, 0, 1, 1], [], []>, transpose_lhs_hint = false} : vector<512x128xf32>, vector<128x128xf32>, vector<512x128xf32> -> vector<512x128xf32>
    %get3A_6 = arith.constant 0 : index
    %get3A_7 = arith.constant 0 : index
    %get3A_8 = vector.load %arg3[%get3A_6, %get3A_7] : memref<1x128xf32, #tpu.memory_space<vmem>>, vector<1x128xf32>
    %add3A = vector.broadcast %get3A_8 : vector<1x128xf32> to vector<512x128xf32>
    %add3A_9 = arith.addf %dot_general3A_5, %add3A : vector<512x128xf32>
    %get3A_10 = arith.constant 0 : index
    %get3A_11 = arith.constant 0 : index
    %get3A_12 = vector.load %arg4[%get3A_10, %get3A_11] : memref<128x128xf32, #tpu.memory_space<vmem>>, vector<128x128xf32>
    %dot_general3A_13 = arith.constant dense<0.000000e+00> : vector<512x128xf32>
    %dot_general3A_14 = tpu.matmul %add3A_9, %get3A_12, %dot_general3A_13 {dimension_numbers = #tpu.dot_dimension_numbers<[1], [0], [0], [1], [0, 0, 1, 1], [], []>, transpose_lhs_hint = false} : vector<512x128xf32>, vector<128x128xf32>, vector<512x128xf32> -> vector<512x128xf32>
    %get3A_15 = arith.constant 0 : index
    %get3A_16 = arith.constant 0 : index
    %get3A_17 = vector.load %arg5[%get3A_15, %get3A_16] : memref<512x1xf32, #tpu.memory_space<vmem>>, vector<512x1xf32>
    %get3A_18 = arith.constant 0 : index
    %get3A_19 = arith.constant 0 : index
    %get3A_20 = vector.load %arg6[%get3A_18, %get3A_19] : memref<512x1xf32, #tpu.memory_space<vmem>>, vector<512x1xf32>
    %add3A_21 = arith.addf %get3A_17, %get3A_20 : vector<512x1xf32>
    %add3A_22 = arith.constant 1.000000e+00 : f32
    %add3A_23 = vector.broadcast %add3A_22 : f32 to vector<512x1xf32>
    %add3A_24 = arith.addf %add3A_21, %add3A_23 : vector<512x1xf32>
    %rsqrt3A = math.rsqrt %add3A_24 : vector<512x1xf32>
    %swap3A = arith.constant 0 : index
    %swap3A_25 = arith.constant 0 : index
    %swap3A_26 = vector.load %arg7[%swap3A, %swap3A_25] : memref<512x128xf32, #tpu.memory_space<vmem>>, vector<512x128xf32>
    tpu.vector_store %arg7[%swap3A, %swap3A_25], %dot_general3A_14 {strides = array<i32>} : memref<512x128xf32, #tpu.memory_space<vmem>>, vector<512x128xf32>,
    %mul3A = vector.broadcast %rsqrt3A : vector<512x1xf32> to vector<512x128xf32>
    %mul3A_27 = arith.mulf %dot_general3A_14, %mul3A : vector<512x128xf32>
    %swap3A_28 = arith.constant 0 : index
    %swap3A_29 = arith.constant 0 : index
    %swap3A_30 = vector.load %arg8[%swap3A_28, %swap3A_29] : memref<512x128xf32, #tpu.memory_space<vmem>>, vector<512x128xf32>
    tpu.vector_store %arg8[%swap3A_28, %swap3A_29], %mul3A_27 {strides = array<i32>} : memref<512x128xf32, #tpu.memory_space<vmem>>, vector<512x128xf32>,
    return
  }
  func.func @transform_0(%arg0: i32) -> (i32, i32) {
    %c0_i32 = arith.constant 0 : i32
    %c0_i32_0 = arith.constant 0 : i32
    return %arg0, %c0_i32 : i32, i32
  }
  func.func @transform_1(%arg0: i32) -> (i32, i32) {
    %c0_i32 = arith.constant 0 : i32
    %c0_i32_0 = arith.constant 0 : i32
    %c0_i32_1 = arith.constant 0 : i32
    return %c0_i32, %c0_i32_0 : i32, i32
  }
  func.func @transform_2(%arg0: i32) -> (i32, i32) {
    %c0_i32 = arith.constant 0 : i32
    %c0_i32_0 = arith.constant 0 : i32
    %c0_i32_1 = arith.constant 0 : i32
    return %c0_i32, %c0_i32_0 : i32, i32
  }
  func.func @transform_3(%arg0: i32) -> (i32, i32) {
    %c0_i32 = arith.constant 0 : i32
    %c0_i32_0 = arith.constant 0 : i32
    %c0_i32_1 = arith.constant 0 : i32
    return %c0_i32, %c0_i32_0 : i32, i32
  }
  func.func @transform_4(%arg0: i32) -> (i32, i32) {
    %c0_i32 = arith.constant 0 : i32
    %c0_i32_0 = arith.constant 0 : i32
    return %arg0, %c0_i32 : i32, i32
  }
  func.func @transform_5(%arg0: i32) -> (i32, i32) {
    %c0_i32 = arith.constant 0 : i32
    %c0_i32_0 = arith.constant 0 : i32
    return %arg0, %c0_i32 : i32, i32
  }
  func.func @transform_6(%arg0: i32) -> (i32, i32) {
    %c0_i32 = arith.constant 0 : i32
    %c0_i32_0 = arith.constant 0 : i32
    return %arg0, %c0_i32 : i32, i32
  }
  func.func @transform_7(%arg0: i32) -> (i32, i32) {
    %c0_i32 = arith.constant 0 : i32
    %c0_i32_0 = arith.constant 0 : i32
    return %arg0, %c0_i32 : i32, i32
  }
}

module attributes {stable_mosaic.version = 14 : i64} {
  func.func @_tcb_body(%arg0: i32, %arg1: memref<512x128xf32, #tpu.memory_space<vmem>>, %arg2: memref<512x128xf32, #tpu.memory_space<vmem>>, %arg3: memref<512x128xf32, #tpu.memory_space<vmem>>, %arg4: memref<512x1xf32, #tpu.memory_space<vmem>>, %arg5: memref<512x1xf32, #tpu.memory_space<vmem>>, %arg6: memref<1x128xf32, #tpu.memory_space<vmem>>, %arg7: memref<128x128xf32, #tpu.memory_space<vmem>>, %arg8: memref<512x128xf32, #tpu.memory_space<vmem>>, %arg9: memref<512x128xf32, #tpu.memory_space<vmem>>) attributes {dimension_semantics = [#tpu.dimension_semantics<arbitrary>], iteration_bounds = array<i64: 20>, scalar_prefetch = 0 : i64, scratch_operands = 0 : i64, tpu.core_type = #tpu.core_type<tc>, window_params = [{transform_indices = @transform_0, window_bounds = array<i64: 512, 128>}, {transform_indices = @transform_1, window_bounds = array<i64: 512, 128>}, {transform_indices = @transform_2, window_bounds = array<i64: 512, 128>}, {transform_indices = @transform_3, window_bounds = array<i64: 512, 1>}, {transform_indices = @transform_4, window_bounds = array<i64: 512, 1>}, {pipeline_mode = #tpu.pipeline_mode<synchronous>, transform_indices = @transform_5, window_bounds = array<i64: 1, 128>}, {pipeline_mode = #tpu.pipeline_mode<synchronous>, transform_indices = @transform_6, window_bounds = array<i64: 128, 128>}, {transform_indices = @transform_7, window_bounds = array<i64: 512, 128>}, {transform_indices = @transform_8, window_bounds = array<i64: 512, 128>}]} {
    %get3A = arith.constant 0 : index
    %get3A_0 = arith.constant 0 : index
    %get3A_1 = vector.load %arg4[%get3A, %get3A_0] : memref<512x1xf32, #tpu.memory_space<vmem>>, vector<512x1xf32>
    %get3A_2 = arith.constant 0 : index
    %get3A_3 = arith.constant 0 : index
    %get3A_4 = vector.load %arg5[%get3A_2, %get3A_3] : memref<512x1xf32, #tpu.memory_space<vmem>>, vector<512x1xf32>
    %add3A = arith.addf %get3A_1, %get3A_4 : vector<512x1xf32>
    %add3A_5 = arith.constant 1.000000e+00 : f32
    %add3A_6 = vector.broadcast %add3A_5 : f32 to vector<512x1xf32>
    %add3A_7 = arith.addf %add3A, %add3A_6 : vector<512x1xf32>
    %rsqrt3A = math.rsqrt %add3A_7 : vector<512x1xf32>
    %mul3A = arith.mulf %rsqrt3A, %rsqrt3A : vector<512x1xf32>
    %get3A_8 = arith.constant 0 : index
    %get3A_9 = arith.constant 0 : index
    %get3A_10 = vector.load %arg1[%get3A_8, %get3A_9] : memref<512x128xf32, #tpu.memory_space<vmem>>, vector<512x128xf32>
    %get3A_11 = arith.constant 0 : index
    %get3A_12 = arith.constant 0 : index
    %get3A_13 = vector.load %arg2[%get3A_11, %get3A_12] : memref<512x128xf32, #tpu.memory_space<vmem>>, vector<512x128xf32>
    %add3A_14 = arith.addf %get3A_10, %get3A_13 : vector<512x128xf32>
    %mul3A_15 = vector.broadcast %rsqrt3A : vector<512x1xf32> to vector<512x128xf32>
    %mul3A_16 = arith.mulf %add3A_14, %mul3A_15 : vector<512x128xf32>
    %get3A_17 = arith.constant 0 : index
    %get3A_18 = arith.constant 0 : index
    %get3A_19 = vector.load %arg3[%get3A_17, %get3A_18] : memref<512x128xf32, #tpu.memory_space<vmem>>, vector<512x128xf32>
    %mul3A_20 = vector.broadcast %mul3A : vector<512x1xf32> to vector<512x128xf32>
    %mul3A_21 = arith.mulf %get3A_19, %mul3A_20 : vector<512x128xf32>
    %add3A_22 = arith.addf %mul3A_16, %mul3A_21 : vector<512x128xf32>
    %get3A_23 = arith.constant 0 : index
    %get3A_24 = arith.constant 0 : index
    %get3A_25 = vector.load %arg6[%get3A_23, %get3A_24] : memref<1x128xf32, #tpu.memory_space<vmem>>, vector<1x128xf32>
    %add3A_26 = vector.broadcast %get3A_25 : vector<1x128xf32> to vector<512x128xf32>
    %add3A_27 = arith.addf %add3A_22, %add3A_26 : vector<512x128xf32>
    %max3A = arith.constant 0.000000e+00 : f32
    %max3A_28 = vector.broadcast %max3A : f32 to vector<512x128xf32>
    %max3A_29 = arith.maximumf %add3A_27, %max3A_28 : vector<512x128xf32>
    %get3A_30 = arith.constant 0 : index
    %get3A_31 = arith.constant 0 : index
    %get3A_32 = vector.load %arg7[%get3A_30, %get3A_31] : memref<128x128xf32, #tpu.memory_space<vmem>>, vector<128x128xf32>
    %dot_general3A = arith.constant dense<0.000000e+00> : vector<512x128xf32>
    %dot_general3A_33 = tpu.matmul %max3A_29, %get3A_32, %dot_general3A {dimension_numbers = #tpu.dot_dimension_numbers<[1], [0], [0], [1], [0, 0, 1, 1], [], []>, transpose_lhs_hint = false} : vector<512x128xf32>, vector<128x128xf32>, vector<512x128xf32> -> vector<512x128xf32>
    %swap3A = arith.constant 0 : index
    %swap3A_34 = arith.constant 0 : index
    %swap3A_35 = vector.load %arg8[%swap3A, %swap3A_34] : memref<512x128xf32, #tpu.memory_space<vmem>>, vector<512x128xf32>
    tpu.vector_store %arg8[%swap3A, %swap3A_34], %dot_general3A_33 {strides = array<i32>} : memref<512x128xf32, #tpu.memory_space<vmem>>, vector<512x128xf32>,
    %mul3A_36 = vector.broadcast %rsqrt3A : vector<512x1xf32> to vector<512x128xf32>
    %mul3A_37 = arith.mulf %dot_general3A_33, %mul3A_36 : vector<512x128xf32>
    %swap3A_38 = arith.constant 0 : index
    %swap3A_39 = arith.constant 0 : index
    %swap3A_40 = vector.load %arg9[%swap3A_38, %swap3A_39] : memref<512x128xf32, #tpu.memory_space<vmem>>, vector<512x128xf32>
    tpu.vector_store %arg9[%swap3A_38, %swap3A_39], %mul3A_37 {strides = array<i32>} : memref<512x128xf32, #tpu.memory_space<vmem>>, vector<512x128xf32>,
    return
  }
  func.func @transform_0(%arg0: i32) -> (i32, i32) {
    %c0_i32 = arith.constant 0 : i32
    %c0_i32_0 = arith.constant 0 : i32
    return %arg0, %c0_i32 : i32, i32
  }
  func.func @transform_1(%arg0: i32) -> (i32, i32) {
    %c0_i32 = arith.constant 0 : i32
    %c0_i32_0 = arith.constant 0 : i32
    return %arg0, %c0_i32 : i32, i32
  }
  func.func @transform_2(%arg0: i32) -> (i32, i32) {
    %c0_i32 = arith.constant 0 : i32
    %c0_i32_0 = arith.constant 0 : i32
    return %arg0, %c0_i32 : i32, i32
  }
  func.func @transform_3(%arg0: i32) -> (i32, i32) {
    %c0_i32 = arith.constant 0 : i32
    %c0_i32_0 = arith.constant 0 : i32
    return %arg0, %c0_i32 : i32, i32
  }
  func.func @transform_4(%arg0: i32) -> (i32, i32) {
    %c0_i32 = arith.constant 0 : i32
    %c0_i32_0 = arith.constant 0 : i32
    return %arg0, %c0_i32 : i32, i32
  }
  func.func @transform_5(%arg0: i32) -> (i32, i32) {
    %c0_i32 = arith.constant 0 : i32
    %c0_i32_0 = arith.constant 0 : i32
    %c0_i32_1 = arith.constant 0 : i32
    return %c0_i32, %c0_i32_0 : i32, i32
  }
  func.func @transform_6(%arg0: i32) -> (i32, i32) {
    %c0_i32 = arith.constant 0 : i32
    %c0_i32_0 = arith.constant 0 : i32
    %c0_i32_1 = arith.constant 0 : i32
    return %c0_i32, %c0_i32_0 : i32, i32
  }
  func.func @transform_7(%arg0: i32) -> (i32, i32) {
    %c0_i32 = arith.constant 0 : i32
    %c0_i32_0 = arith.constant 0 : i32
    return %arg0, %c0_i32 : i32, i32
  }
  func.func @transform_8(%arg0: i32) -> (i32, i32) {
    %c0_i32 = arith.constant 0 : i32
    %c0_i32_0 = arith.constant 0 : i32
    return %arg0, %c0_i32 : i32, i32
  }
}

module attributes {stable_mosaic.version = 14 : i64} {
  func.func @_tcc_body(%arg0: i32, %arg1: memref<512x128xf32, #tpu.memory_space<vmem>>, %arg2: memref<512x128xf32, #tpu.memory_space<vmem>>, %arg3: memref<512x128xf32, #tpu.memory_space<vmem>>, %arg4: memref<512x1xf32, #tpu.memory_space<vmem>>, %arg5: memref<512x1xf32, #tpu.memory_space<vmem>>, %arg6: memref<1x128xf32, #tpu.memory_space<vmem>>, %arg7: memref<512x1xi32, #tpu.memory_space<vmem>>, %arg8: memref<128x64xf32, #tpu.memory_space<vmem>>, %arg9: memref<1x64xf32, #tpu.memory_space<vmem>>, %arg10: memref<64x16xf32, #tpu.memory_space<vmem>>, %arg11: memref<1x16xf32, #tpu.memory_space<vmem>>, %arg12: memref<16x16xf32, #tpu.memory_space<vmem>>, %arg13: memref<16x128xf32, #tpu.memory_space<vmem>>, %arg14: memref<16x128xf32, #tpu.memory_space<vmem>>) attributes {dimension_semantics = [#tpu.dimension_semantics<arbitrary>], iteration_bounds = array<i64: 20>, scalar_prefetch = 0 : i64, scratch_operands = 2 : i64, tpu.core_type = #tpu.core_type<tc>, window_params = [{transform_indices = @transform_0, window_bounds = array<i64: 512, 128>}, {transform_indices = @transform_1, window_bounds = array<i64: 512, 128>}, {transform_indices = @transform_2, window_bounds = array<i64: 512, 128>}, {transform_indices = @transform_3, window_bounds = array<i64: 512, 1>}, {transform_indices = @transform_4, window_bounds = array<i64: 512, 1>}, {pipeline_mode = #tpu.pipeline_mode<synchronous>, transform_indices = @transform_5, window_bounds = array<i64: 1, 128>}, {transform_indices = @transform_6, window_bounds = array<i64: 512, 1>}, {pipeline_mode = #tpu.pipeline_mode<synchronous>, transform_indices = @transform_7, window_bounds = array<i64: 128, 64>}, {pipeline_mode = #tpu.pipeline_mode<synchronous>, transform_indices = @transform_8, window_bounds = array<i64: 1, 64>}, {pipeline_mode = #tpu.pipeline_mode<synchronous>, transform_indices = @transform_9, window_bounds = array<i64: 64, 16>}, {pipeline_mode = #tpu.pipeline_mode<synchronous>, transform_indices = @transform_10, window_bounds = array<i64: 1, 16>}, {pipeline_mode = #tpu.pipeline_mode<synchronous>, transform_indices = @transform_11, window_bounds = array<i64: 16, 16>}]} {
    %eq3A = arith.constant 0 : i32
    %eq3A_0 = arith.cmpi eq, %arg0, %eq3A : i32
    %convert_element_type3A = arith.extui %eq3A_0 : i1 to i32
    %cond3A = arith.constant 0 : i32
    %cond3A_1 = arith.cmpi ne, %convert_element_type3A, %cond3A : i32
    scf.if %cond3A_1 {
      %broadcast_in_dim3A_61 = arith.constant 0.000000e+00 : f32
      %broadcast_in_dim3A_62 = vector.broadcast %broadcast_in_dim3A_61 : f32 to vector<16x128xf32>
      %swap3A_63 = arith.constant 0 : index
      %swap3A_64 = arith.constant 0 : index
      %swap3A_65 = vector.load %arg13[%swap3A_63, %swap3A_64] : memref<16x128xf32, #tpu.memory_space<vmem>>, vector<16x128xf32>
      tpu.vector_store %arg13[%swap3A_63, %swap3A_64], %broadcast_in_dim3A_62 {strides = array<i32>} : memref<16x128xf32, #tpu.memory_space<vmem>>, vector<16x128xf32>,
      %broadcast_in_dim3A_66 = arith.constant 0.000000e+00 : f32
      %broadcast_in_dim3A_67 = vector.broadcast %broadcast_in_dim3A_66 : f32 to vector<16x128xf32>
      %swap3A_68 = arith.constant 0 : index
      %swap3A_69 = arith.constant 0 : index
      %swap3A_70 = vector.load %arg14[%swap3A_68, %swap3A_69] : memref<16x128xf32, #tpu.memory_space<vmem>>, vector<16x128xf32>
      tpu.vector_store %arg14[%swap3A_68, %swap3A_69], %broadcast_in_dim3A_67 {strides = array<i32>} : memref<16x128xf32, #tpu.memory_space<vmem>>, vector<16x128xf32>,
    } else {
    }
    %get3A = arith.constant 0 : index
    %get3A_2 = arith.constant 0 : index
    %get3A_3 = vector.load %arg4[%get3A, %get3A_2] : memref<512x1xf32, #tpu.memory_space<vmem>>, vector<512x1xf32>
    %get3A_4 = arith.constant 0 : index
    %get3A_5 = arith.constant 0 : index
    %get3A_6 = vector.load %arg5[%get3A_4, %get3A_5] : memref<512x1xf32, #tpu.memory_space<vmem>>, vector<512x1xf32>
    %add3A = arith.addf %get3A_3, %get3A_6 : vector<512x1xf32>
    %add3A_7 = arith.constant 1.000000e+00 : f32
    %add3A_8 = vector.broadcast %add3A_7 : f32 to vector<512x1xf32>
    %add3A_9 = arith.addf %add3A, %add3A_8 : vector<512x1xf32>
    %rsqrt3A = math.rsqrt %add3A_9 : vector<512x1xf32>
    %mul3A = arith.mulf %rsqrt3A, %rsqrt3A : vector<512x1xf32>
    %get3A_10 = arith.constant 0 : index
    %get3A_11 = arith.constant 0 : index
    %get3A_12 = vector.load %arg1[%get3A_10, %get3A_11] : memref<512x128xf32, #tpu.memory_space<vmem>>, vector<512x128xf32>
    %get3A_13 = arith.constant 0 : index
    %get3A_14 = arith.constant 0 : index
    %get3A_15 = vector.load %arg2[%get3A_13, %get3A_14] : memref<512x128xf32, #tpu.memory_space<vmem>>, vector<512x128xf32>
    %add3A_16 = arith.addf %get3A_12, %get3A_15 : vector<512x128xf32>
    %mul3A_17 = vector.broadcast %rsqrt3A : vector<512x1xf32> to vector<512x128xf32>
    %mul3A_18 = arith.mulf %add3A_16, %mul3A_17 : vector<512x128xf32>
    %get3A_19 = arith.constant 0 : index
    %get3A_20 = arith.constant 0 : index
    %get3A_21 = vector.load %arg3[%get3A_19, %get3A_20] : memref<512x128xf32, #tpu.memory_space<vmem>>, vector<512x128xf32>
    %mul3A_22 = vector.broadcast %mul3A : vector<512x1xf32> to vector<512x128xf32>
    %mul3A_23 = arith.mulf %get3A_21, %mul3A_22 : vector<512x128xf32>
    %add3A_24 = arith.addf %mul3A_18, %mul3A_23 : vector<512x128xf32>
    %get3A_25 = arith.constant 0 : index
    %get3A_26 = arith.constant 0 : index
    %get3A_27 = vector.load %arg6[%get3A_25, %get3A_26] : memref<1x128xf32, #tpu.memory_space<vmem>>, vector<1x128xf32>
    %add3A_28 = vector.broadcast %get3A_27 : vector<1x128xf32> to vector<512x128xf32>
    %add3A_29 = arith.addf %add3A_24, %add3A_28 : vector<512x128xf32>
    %max3A = arith.constant 0.000000e+00 : f32
    %max3A_30 = vector.broadcast %max3A : f32 to vector<512x128xf32>
    %max3A_31 = arith.maximumf %add3A_29, %max3A_30 : vector<512x128xf32>
    %iota3A = tpu.iota {dimensions = array<i32: 1>} : vector<512x16xi32>
    %get3A_32 = arith.constant 0 : index
    %get3A_33 = arith.constant 0 : index
    %get3A_34 = vector.load %arg7[%get3A_32, %get3A_33] : memref<512x1xi32, #tpu.memory_space<vmem>>, vector<512x1xi32>
    %eq3A_35 = vector.broadcast %get3A_34 : vector<512x1xi32> to vector<512x16xi32>
    %eq3A_36 = arith.cmpi eq, %eq3A_35, %iota3A : vector<512x16xi32>
    %convert_element_type3A_37 = arith.extui %eq3A_36 : vector<512x16xi1> to vector<512x16xi32>
    %convert_element_type3A_38 = arith.sitofp %convert_element_type3A_37 : vector<512x16xi32> to vector<512x16xf32>
    %get3A_39 = arith.constant 0 : index
    %get3A_40 = arith.constant 0 : index
    %get3A_41 = vector.load %arg13[%get3A_39, %get3A_40] : memref<16x128xf32, #tpu.memory_space<vmem>>, vector<16x128xf32>
    %dot_general3A = arith.constant dense<0.000000e+00> : vector<16x128xf32>
    %dot_general3A_42 = tpu.matmul %convert_element_type3A_38, %max3A_31, %dot_general3A {dimension_numbers = #tpu.dot_dimension_numbers<[0], [0], [1], [1], [0, 1, 1, 1], [], []>, transpose_lhs_hint = false} : vector<512x16xf32>, vector<512x128xf32>, vector<16x128xf32> -> vector<16x128xf32>
    %add3A_43 = arith.addf %get3A_41, %dot_general3A_42 : vector<16x128xf32>
    %swap3A = arith.constant 0 : index
    %swap3A_44 = arith.constant 0 : index
    %swap3A_45 = vector.load %arg13[%swap3A, %swap3A_44] : memref<16x128xf32, #tpu.memory_space<vmem>>, vector<16x128xf32>
    tpu.vector_store %arg13[%swap3A, %swap3A_44], %add3A_43 {strides = array<i32>} : memref<16x128xf32, #tpu.memory_space<vmem>>, vector<16x128xf32>,
    %get3A_46 = arith.constant 0 : index
    %get3A_47 = arith.constant 0 : index
    %get3A_48 = vector.load %arg14[%get3A_46, %get3A_47] : memref<16x128xf32, #tpu.memory_space<vmem>>, vector<16x128xf32>
    %broadcast_in_dim3A = arith.constant 1.000000e+00 : f32
    %broadcast_in_dim3A_49 = vector.broadcast %broadcast_in_dim3A : f32 to vector<512x128xf32>
    %dot_general3A_50 = arith.constant dense<0.000000e+00> : vector<16x128xf32>
    %dot_general3A_51 = tpu.matmul %convert_element_type3A_38, %broadcast_in_dim3A_49, %dot_general3A_50 {dimension_numbers = #tpu.dot_dimension_numbers<[0], [0], [1], [1], [0, 1, 1, 1], [], []>, transpose_lhs_hint = false} : vector<512x16xf32>, vector<512x128xf32>, vector<16x128xf32> -> vector<16x128xf32>
    %add3A_52 = arith.addf %get3A_48, %dot_general3A_51 : vector<16x128xf32>
    %swap3A_53 = arith.constant 0 : index
    %swap3A_54 = arith.constant 0 : index
    %swap3A_55 = vector.load %arg14[%swap3A_53, %swap3A_54] : memref<16x128xf32, #tpu.memory_space<vmem>>, vector<16x128xf32>
    tpu.vector_store %arg14[%swap3A_53, %swap3A_54], %add3A_52 {strides = array<i32>} : memref<16x128xf32, #tpu.memory_space<vmem>>, vector<16x128xf32>,
    %eq3A_56 = arith.constant 19 : i32
    %eq3A_57 = arith.cmpi eq, %arg0, %eq3A_56 : i32
    %convert_element_type3A_58 = arith.extui %eq3A_57 : i1 to i32
    %cond3A_59 = arith.constant 0 : i32
    %cond3A_60 = arith.cmpi ne, %convert_element_type3A_58, %cond3A_59 : i32
    scf.if %cond3A_60 {
      %get3A_61 = arith.constant 0 : index
      %get3A_62 = arith.constant 0 : index
      %get3A_63 = vector.load %arg14[%get3A_61, %get3A_62] : memref<16x128xf32, #tpu.memory_space<vmem>>, vector<16x128xf32>
      %max3A_64 = arith.constant 1.000000e+00 : f32
      %max3A_65 = vector.broadcast %max3A_64 : f32 to vector<16x128xf32>
      %max3A_66 = arith.maximumf %get3A_63, %max3A_65 : vector<16x128xf32>
      %get3A_67 = arith.constant 0 : index
      %get3A_68 = arith.constant 0 : index
      %get3A_69 = vector.load %arg13[%get3A_67, %get3A_68] : memref<16x128xf32, #tpu.memory_space<vmem>>, vector<16x128xf32>
      %div3A = arith.divf %get3A_69, %max3A_66 : vector<16x128xf32>
      %get3A_70 = arith.constant 0 : index
      %get3A_71 = arith.constant 0 : index
      %get3A_72 = vector.load %arg8[%get3A_70, %get3A_71] : memref<128x64xf32, #tpu.memory_space<vmem>>, vector<128x64xf32>
      %dot_general3A_73 = arith.constant dense<0.000000e+00> : vector<16x64xf32>
      %dot_general3A_74 = tpu.matmul %div3A, %get3A_72, %dot_general3A_73 {dimension_numbers = #tpu.dot_dimension_numbers<[1], [0], [0], [1], [0, 0, 1, 1], [], []>, transpose_lhs_hint = false} : vector<16x128xf32>, vector<128x64xf32>, vector<16x64xf32> -> vector<16x64xf32>
      %get3A_75 = arith.constant 0 : index
      %get3A_76 = arith.constant 0 : index
      %get3A_77 = vector.load %arg9[%get3A_75, %get3A_76] : memref<1x64xf32, #tpu.memory_space<vmem>>, vector<1x64xf32>
      %add3A_78 = vector.broadcast %get3A_77 : vector<1x64xf32> to vector<16x64xf32>
      %add3A_79 = arith.addf %dot_general3A_74, %add3A_78 : vector<16x64xf32>
      %max3A_80 = arith.constant 0.000000e+00 : f32
      %max3A_81 = vector.broadcast %max3A_80 : f32 to vector<16x64xf32>
      %max3A_82 = arith.maximumf %add3A_79, %max3A_81 : vector<16x64xf32>
      %get3A_83 = arith.constant 0 : index
      %get3A_84 = arith.constant 0 : index
      %get3A_85 = vector.load %arg10[%get3A_83, %get3A_84] : memref<64x16xf32, #tpu.memory_space<vmem>>, vector<64x16xf32>
      %dot_general3A_86 = arith.constant dense<0.000000e+00> : vector<16x16xf32>
      %dot_general3A_87 = tpu.matmul %max3A_82, %get3A_85, %dot_general3A_86 {dimension_numbers = #tpu.dot_dimension_numbers<[1], [0], [0], [1], [0, 0, 1, 1], [], []>, transpose_lhs_hint = false} : vector<16x64xf32>, vector<64x16xf32>, vector<16x16xf32> -> vector<16x16xf32>
      %get3A_88 = arith.constant 0 : index
      %get3A_89 = arith.constant 0 : index
      %get3A_90 = vector.load %arg11[%get3A_88, %get3A_89] : memref<1x16xf32, #tpu.memory_space<vmem>>, vector<1x16xf32>
      %add3A_91 = vector.broadcast %get3A_90 : vector<1x16xf32> to vector<16x16xf32>
      %add3A_92 = arith.addf %dot_general3A_87, %add3A_91 : vector<16x16xf32>
      %swap3A_93 = arith.constant 0 : index
      %swap3A_94 = arith.constant 0 : index
      %swap3A_95 = vector.load %arg12[%swap3A_93, %swap3A_94] : memref<16x16xf32, #tpu.memory_space<vmem>>, vector<16x16xf32>
      tpu.vector_store %arg12[%swap3A_93, %swap3A_94], %add3A_92 {strides = array<i32>} : memref<16x16xf32, #tpu.memory_space<vmem>>, vector<16x16xf32>,
    } else {
    }
    return
  }
  func.func @transform_0(%arg0: i32) -> (i32, i32) {
    %c0_i32 = arith.constant 0 : i32
    %c0_i32_0 = arith.constant 0 : i32
    return %arg0, %c0_i32 : i32, i32
  }
  func.func @transform_1(%arg0: i32) -> (i32, i32) {
    %c0_i32 = arith.constant 0 : i32
    %c0_i32_0 = arith.constant 0 : i32
    return %arg0, %c0_i32 : i32, i32
  }
  func.func @transform_2(%arg0: i32) -> (i32, i32) {
    %c0_i32 = arith.constant 0 : i32
    %c0_i32_0 = arith.constant 0 : i32
    return %arg0, %c0_i32 : i32, i32
  }
  func.func @transform_3(%arg0: i32) -> (i32, i32) {
    %c0_i32 = arith.constant 0 : i32
    %c0_i32_0 = arith.constant 0 : i32
    return %arg0, %c0_i32 : i32, i32
  }
  func.func @transform_4(%arg0: i32) -> (i32, i32) {
    %c0_i32 = arith.constant 0 : i32
    %c0_i32_0 = arith.constant 0 : i32
    return %arg0, %c0_i32 : i32, i32
  }
  func.func @transform_5(%arg0: i32) -> (i32, i32) {
    %c0_i32 = arith.constant 0 : i32
    %c0_i32_0 = arith.constant 0 : i32
    %c0_i32_1 = arith.constant 0 : i32
    return %c0_i32, %c0_i32_0 : i32, i32
  }
  func.func @transform_6(%arg0: i32) -> (i32, i32) {
    %c0_i32 = arith.constant 0 : i32
    %c0_i32_0 = arith.constant 0 : i32
    return %arg0, %c0_i32 : i32, i32
  }
  func.func @transform_7(%arg0: i32) -> (i32, i32) {
    %c0_i32 = arith.constant 0 : i32
    %c0_i32_0 = arith.constant 0 : i32
    %c0_i32_1 = arith.constant 0 : i32
    return %c0_i32, %c0_i32_0 : i32, i32
  }
  func.func @transform_8(%arg0: i32) -> (i32, i32) {
    %c0_i32 = arith.constant 0 : i32
    %c0_i32_0 = arith.constant 0 : i32
    %c0_i32_1 = arith.constant 0 : i32
    return %c0_i32, %c0_i32_0 : i32, i32
  }
  func.func @transform_9(%arg0: i32) -> (i32, i32) {
    %c0_i32 = arith.constant 0 : i32
    %c0_i32_0 = arith.constant 0 : i32
    %c0_i32_1 = arith.constant 0 : i32
    return %c0_i32, %c0_i32_0 : i32, i32
  }
  func.func @transform_10(%arg0: i32) -> (i32, i32) {
    %c0_i32 = arith.constant 0 : i32
    %c0_i32_0 = arith.constant 0 : i32
    %c0_i32_1 = arith.constant 0 : i32
    return %c0_i32, %c0_i32_0 : i32, i32
  }
  func.func @transform_11(%arg0: i32) -> (i32, i32) {
    %c0_i32 = arith.constant 0 : i32
    %c0_i32_0 = arith.constant 0 : i32
    %c0_i32_1 = arith.constant 0 : i32
    return %c0_i32, %c0_i32_0 : i32, i32
  }
}

</mosaic_0001>

<sc_bundles>
// kernel: kernel.11.cloned.1.call-start
scs
__scs_entry_jumppad:
0x0: {  	(pc) =	sbr.rel $0x88, $3  }
0x1: {  	(tag) =	ssettag $0x0;
	lr =	simm.s32 $0x1  }
0x2: {  	[smem:$0x3F94] =	sst lr;
	_ =	strace $0xD0000000  }
0x3: {  	_ = 	snop  }
0x4: {  	_ = 	snop  }
0x5: {  	_ = 	snop  }
0x6: {  	_ = 	snop  }
0x7: {  	_ = 	snop  }
__scs_overlays_trampoline_lowered:
0x8: {  	[smem:$0x3FA3] =	sst s0  }
0x9: {  	[smem:$0x3FA4] =	sst s1  }
0xa: {  	[smem:$0x3FA5] =	sst s2  }
0xb: {  	[smem:$0x3FA6] =	sst s3  }
0xc: {  	[smem:$0x3FA7] =	sst s4  }
0xd: {  	[smem:$0x3FA8] =	sst s5  }
0xe: {  	[smem:$0x3FA9] =	sst s6  }
0xf: {  	[smem:$0x3FAA] =	sst s7  }
0x10: {  	[smem:$0x3FAB] =	sst s8  }
0x11: {  	[smem:$0x3FAC] =	sst s9;
	s0 =	simm.s32 @!p0 $0x0  }
0x12: {  	s1 =	sld [smem:$0x3F92];
	s0 =	simm.s32 @p0 $0x1  }
0x13: {  	[smem:$0x3FAD] =	sst s0;
	s0 =	simm.s32 @!p1 $0x0  }
0x14: {  	s2 =	sld [smem:$0x3F91];
	s0 =	simm.s32 @p1 $0x1  }
0x15: {  	[smem:$0x3FAE] =	sst s0;
	s0 =	simm.s32 @!p2 $0x0  }
0x16: {  	s3 =	sld [smem:$0x3FDB];
	s0 =	simm.s32 @p2 $0x1  }
0x17: {  	s4 =	simm.s32 $0x1BF5;
	[smem:$0x3FB0] =	sst s0  }
0x18: {  	s0 =	sld [smem:$0x3F93];
	_ =	swait.ge [sflag:s4], $0x0  }
0x19: {  	s7 =	sld [smem:$0x3F94]  }
0x1a: {  	s8 =	sadd.s32 $0xFFFFE003, lr  }
0x1b: {  	s9 =	sadd.s32 $0xFFFFFEF7, lr;
	s5 =	simm.s32 $0xFFFFFFFF;
	p2 =	slt.u32 s8, $0xFFFFF086  }
0x1c: {  	p1 =	slt.u32 s9, $0xF7A;
	s5 =	simm.s32 @!p2 $0x0  }
0x1d: {  	s5 =	simm.s32 @p1 $0x1;
	p0 =	seq.s32 s7, s2  }
0x1e: {  	s7 =	smul.u32 @!p0 $0xF7A, s2;
	p2 =	seq.s32 @!p0 s5, $0x0  }
0x1f: {  	s9 =	smul.u32 $0xF7A, s1;
	s8 =	simm.s32 @!p0 $0x1BF5;
	p2 =	por !p2, p0  }
0x20: {  	[sflag:s8] =	ssyncset.s32 @!p0 $0xFFFFF086;
	s6 =	sadd.s32 @!p0 s3, s7;
	s7 =	simm.s32 @!p0 $0x108  }
0x21: {  	s3 =	sadd.s32 s3, s9;
	s6 =	sadd.s32 @!p0 $0x88, s6;
	s7 =	simm.s32 @p2 $0x1082  }
0x22: {  	[simem:s7], [sflag:s8] =	dma.local @!p0 [hbm:s6], $0xF7A  }
0x23: {  	s9 =	sor.u32 $0xD0000000, s2;
	s6 =	simm.s32 $0x108;
	_ =	swait.ge @!p0 [sflag:s8], $0x0  }
0x24: {  	s3 =	sadd.s32 $0x88, s3;
	s6 =	simm.s32 @!p1 $0x1082;
	[sflag:s4] =	ssyncset.s32 $0xFFFFF086  }
0x25: {  	[simem:s6], [sflag:s4] =	dma.local [hbm:s3], $0xF7A  }
0x26: {  	[smem:$0x3F94] =	sst s1;
	(tag) =	ssettag s2;
	_ =	strace s9  }
0x27: {  	s1 =	sld [smem:$0x3FA4]  }
0x28: {  	s2 =	sld [smem:$0x3FA5]  }
0x29: {  	s4 =	sld [smem:$0x3FA7]  }
0x2a: {  	p0 =	seq.s32 s5, $0x0;
	s5 =	sld [smem:$0x3FA8]  }
0x2b: {  	s6 =	sld [smem:$0x3FA9]  }
0x2c: {  	s7 =	sld [smem:$0x3FAA]  }
0x2d: {  	s3 =	simm.s32 $0x108;
	s8 =	sld [smem:$0x3FAB]  }
0x2e: {  	s3 =	simm.s32 @!p0 $0x1082;
	s9 =	sld [smem:$0x3FAC]  }
0x2f: {  	lr =	sadd.s32 s0, s3;
	s0 =	sld [smem:$0x3FA3]  }
0x30: {  	s3 =	sld [smem:$0x3FA6]  }
0x31: {  	[smem:$0x3FAF] =	sst s10  }
0x32: {  	s10 =	sld [smem:$0x3FAD];
	_ =	sdelay $0x3  }
0x33: {  	p0 =	seq.s32 s10, $0x1;
	s10 =	sld [smem:$0x3FAF];
	_ =	sdelay $0x3  }
0x34: {  	[smem:$0x3FAF] =	sst s10  }
0x35: {  	s10 =	sld [smem:$0x3FAE];
	_ =	sdelay $0x3  }
0x36: {  	p1 =	seq.s32 s10, $0x1;
	s10 =	sld [smem:$0x3FAF];
	_ =	sdelay $0x3  }
0x37: {  	[smem:$0x3FAF] =	sst s10  }
0x38: {  	s10 =	sld [smem:$0x3FB0]  }
0x39: {  	_ = 	snop;
	(pc) =	sbr.ind lr, $3  }
0x3a: {  	_ = 	snop  }
0x3b: {  	_ = 	snop  }
0x3c: {  	p2 =	seq.s32 s10, $0x1;
	s10 =	sld [smem:$0x3FAF]  }
0x3d: {  	_ =	shalt  }
0x3e: {  	_ =	shalt  }
0x3f: {  	_ =	shalt  }
0x40: {  	_ =	shalt  }
0x41: {  	_ =	shalt  }
0x42: {  	_ =	shalt  }
0x43: {  	_ =	shalt  }
0x44: {  	_ =	shalt  }
0x45: {  	_ =	shalt  }
0x46: {  	_ =	shalt  }
0x47: {  	_ =	shalt  }
0x48: {  	_ =	shalt  }
0x49: {  	_ =	shalt  }
0x4a: {  	_ =	shalt  }
0x4b: {  	_ =	shalt  }
0x4c: {  	_ =	shalt  }
0x4d: {  	_ =	shalt  }
0x4e: {  	_ =	shalt  }
0x4f: {  	_ =	shalt  }
0x50: {  	_ =	shalt  }
0x51: {  	_ =	shalt  }
0x52: {  	_ =	shalt  }
0x53: {  	_ =	shalt  }
0x54: {  	_ =	shalt  }
0x55: {  	_ =	shalt  }
0x56: {  	_ =	shalt  }
0x57: {  	_ =	shalt  }
0x58: {  	_ =	shalt  }
0x59: {  	_ =	shalt  }
0x5a: {  	_ =	shalt  }
0x5b: {  	_ =	shalt  }
0x5c: {  	_ =	shalt  }
0x5d: {  	_ =	shalt  }
0x5e: {  	_ =	shalt  }
0x5f: {  	_ =	shalt  }
0x60: {  	_ =	shalt  }
0x61: {  	_ =	shalt  }
0x62: {  	_ =	shalt  }
0x63: {  	_ =	shalt  }
0x64: {  	_ =	shalt  }
0x65: {  	_ =	shalt  }
0x66: {  	_ =	shalt  }
0x67: {  	_ =	shalt  }
0x68: {  	_ =	shalt  }
0x69: {  	_ =	shalt  }
0x6a: {  	_ =	shalt  }
0x6b: {  	_ =	shalt  }
0x6c: {  	_ =	shalt  }
0x6d: {  	_ =	shalt  }
0x6e: {  	_ =	shalt  }
0x6f: {  	_ =	shalt  }
0x70: {  	_ =	shalt  }
0x71: {  	_ =	shalt  }
0x72: {  	_ =	shalt  }
0x73: {  	_ =	shalt  }
0x74: {  	_ =	shalt  }
0x75: {  	_ =	shalt  }
0x76: {  	_ =	shalt  }
0x77: {  	_ =	shalt  }
0x78: {  	_ =	shalt  }
0x79: {  	_ =	shalt  }
0x7a: {  	_ =	shalt  }
0x7b: {  	_ =	shalt  }
0x7c: {  	_ =	shalt  }
0x7d: {  	_ =	shalt  }
0x7e: {  	_ =	shalt  }
0x7f: {  	_ =	shalt  }
0x80: {  	_ =	shalt  }
0x81: {  	_ =	shalt  }
0x82: {  	_ =	shalt  }
0x83: {  	_ =	shalt  }
0x84: {  	_ =	shalt  }
0x85: {  	_ =	shalt  }
0x86: {  	_ =	shalt  }
0x87: {  	_ =	shalt  }
.Lfunc_end0:
.L_simem_size_0:
called_computation.1_lowered:
.L_overlay_start_0:
0x88: {  	s2 =	sld [smem:$0x3FD9]  }
0x89: {  	s3 =	sld [smem:$0x3FFE];
	_ =	sdelay $0x1  }
0x8a: {  	s1 =	srdreg.scid  }
0x8b: {  	s0 =	sand.u32 $0x1, s1  }
0x8c: {  	s16 =	sshll.u32 s0, $0xA;
	s2 =	sadd.s32 s3, s2  }
0x8d: {  	s2 =	sadd.s32 s2, s16  }
0x8e: {  	[smem:$0x3FBB] =	sst s2  }
0x8f: {  	_ = 	snop  }
0x90: {  	(tm) =	ssettm $0x1  }
0x91: {  	s17 =	sld [smem:$0x3FFB];
	_ =	sdelay $0x3  }
0x92: {  	_ =	strace s17  }
0x93: {  	s2 =	sld [smem:$0x3FFC];
	_ =	sdelay $0x3  }
0x94: {  	_ =	strace s2  }
0x95: {  	s2 =	sld [smem:$0x3FFD];
	_ =	sdelay $0x3  }
0x96: {  	_ =	strace s2  }
0x97: {  	_ =	strace $0x8FFFFFFF  }
0x98: {  	s18 =	sld [smem:$0x3FDB];
	_ =	sdelay $0x1  }
0x99: {  	s19 =	simm.s32 $_scs_section_size  }
0x9a: {  	s4 =	simm.s32 $_size__tile_overlayer_lowered;
	s5 =	simm.s32 $_tile_overlayer_lowered  }
0x9b: {  	s22 =	simm.s32 $0x1BFF;
	s21 =	sshll.u32 s5, $0x1;
	s2 =	sadd.s32 s19, s18  }
0x9c: {  	s6 =	simm.s32 $0x0;
	s20 =	sshll.u32 s4, $0x1;
	s4 =	sadd.s32 s21, s2  }
0x9d: {  	[timem:s6], [sflag:s22] =	dma.local [hbm:s4], s20  }
0x9e: {  	_ =	swait.ge [sflag:s22], s20  }
0x9f: {  	s3 =	ssub.s32 $0x0, s20;
	[sflag:s22] =	ssyncset.done $0x0  }
0xa0: {  	[sflag:s22] =	ssyncadd.s32 s3;
	_ =	sdelay $0x1  }
0xa1: {  	s23 =	simm.s32 $0x1B8B  }
0xa2: {  	_ =	swait.ge [sflag:s23], $0x1  }
0xa3: {  	[sflag:s23] =	ssyncset.done $0x0  }
0xa4: {  	s25 =	simm.s32 $0x1B8E;
	s24 =	sld [smem:$0x3FFE];
	[sflag:s23] =	ssyncadd.s32 $0xFFFFFFFF  }
0xa5: {  	s26 =	simm.s32 $execute0_lowered;
	[smem:$0x3FD2] =	sst s25  }
0xa6: {  	s4 =	sshll.u32 s26, $0x1;
	_ =	strace $0x80000049;
	[dreg:$0x1] =	wrdreg $0xFFFFFFFF  }
0xa7: {  	s28 =	simm.s32 $_size_execute0_lowered;
	s2 =	sadd.s32 s2, s4;
	[dreg:$0x0] =	wrdreg $0x0  }
0xa8: {  	s4 =	sshll.u32 s28, $0x1;
	[dreg:$0x2] =	wrdreg s2  }
0xa9: {  	[dreg:$0x3] =	wrdreg s4  }
0xaa: {  	[dreg:$0x4] =	wrdreg $0xC0  }
0xab: {  	_ =	task [dreg:s6], $0x5FFFF  }
0xac: {  	[dreg:$0x1] =	wrdreg $0xFFFFFFFF  }
0xad: {  	[dreg:$0x0] =	wrdreg $0x60  }
0xae: {  	[dreg:$0x2] =	wrdreg s24  }
0xaf: {  	[dreg:$0x3] =	wrdreg $0x0  }
0xb0: {  	[dreg:$0x4] =	wrdreg $0x9  }
0xb1: {  	_ =	task.clear_ibuf [dreg:s6], $0x5FFFF;
	_ =	strace $0x90000049  }
0xb2: {  	s29 =	simm.s32 $0x9;
	_ =	strace $0x8000004B  }
0xb3: {  	_ =	swait.ge [sflag:s29], $0x1  }
0xb4: {  	[sflag:s29] =	ssyncadd.s32 $0xFFFFFFFF  }
0xb5: {  	_ =	strace $0x9000004B  }
0xb6: {  	_ =	sfence  }
0xb7: {  	s30 =	sld [smem:$0x0];
	_ =	sdelay $0x2  }
0xb8: {  	s31 =	sshll.u32 s1, $0xD;
	s1 =	sshrl.u32 s1, $0x2  }
0xb9: {  	s3 =	sand.u32 $0x4000, s31;
	s1 =	sadd.s32 s1, s30  }
0xba: {  	s0 =	sor.u32 s3, s0;
	s1 =	sshll.u32 s1, $0x11  }
0xbb: {  	s0 =	sor.u32 s1, s0  }
0xbc: {  	s0 =	sadd.s32 $0x8F2B, s0  }
0xbd: {  	[sflag:s0] =	ssyncadd.remote.s32 $0x1  }
0xbe: {  	_ =	sfence.sel $0xFFFF  }
0xbf: {  	[dreg:$0x0] =	wrdreg $0xFFFFFFFF;
	(pc) =	sbr.abs _section_cstart, $3  }
0xc0: {  	[dreg:$0x1] =	wrdreg $0xFFFFFFFF  }
0xc1: {  	_ =	task.clear_ibuf [dreg:s6], $0x2FFFF;
	_ =	strace $0x9FFFFFFF  }
0xc2: {  	(tm) =	ssettm $0x7FFFFFFF  }
0xc3: {  	_ =	shalt  }
tec
execute0_lowered:
.L_overlay_start_1:
0x0: {  	(tag) =	ssettag $0x1  }
0x1: {  	s5 =	rddreg [dreg:$0x0]  }
0x2: {  	s2 =	rddreg [dreg:$0x1];
	s3 =	simm.s32 $0x0;
	s1 =	stileid.u32  }
0x3: {  	s4 =	srdreg.scid;
	s20 =	simm.s32 $0x14080;
	s21 =	simm.s32 $0x80  }
0x4: {  	s28 =	simm.s32 $0x2;
	s29 =	simm.s32 $0x0;
	[smem:$0x7FF] =	sst s3  }
0x5: {  	s6 =	smul.u32 $0x14000, s1;
	s7 =	sand.u32 $0x1, s4;
	s4 =	sadd.s32 $0x68600, s5  }
0x6: {  	s16 =	sadd.s32 $0xE600, s5;
	s15 =	sadd.s32 $0x3600, s5;
	s10 =	smul.u32 $0x50000, s1  }
0x7: {  	s30 =	sshll.u32 s1, $0x6;
	s14 =	smul.u32 $0x2800, s1;
	_ =	strace $0x8000004A  }
0x8: {  	s8 =	smul.u32 $0x140000, s7;
	s22 =	sshll.u32 s7, $0x4;
	s23 =	ssub.s32 $0x2, s7  }
0x9: {  	s26 =	smul.u32 $0x28000, s7;
	s9 =	sshrl.u32 s6, $0x3;
	s24 =	sor.u32 s1, s22  }
0xa: {  	s25 =	sshrl.u32 s23, $0x1;
	s10 =	sshrl.u32 s10, $0x2;
	s22 =	simm.s32 $0x14200  }
0xb: {  	s9 =	sadd.s32 s9, s5;
	s6 =	sadd.s32 s6, s8;
	s12 =	ssub.s32 s23, s25  }
0xc: {  	s17 =	sadd.s32 s10, s2;
	s14 =	sadd.s32 s14, s26;
	s23 =	simm.s32 $0x14100  }
0xd: {  	s25 =	simm.s32 $0x18200;
	s26 =	simm.s32 $0x1;
	s6 =	sshrl.u32 s6, $0x3  }
0xe: {  	s31 =	sor.u32 $0x180, s14;
	s14 =	sor.u32 $0x100, s14;
	s12 =	smax.u32 s12, $0x1  }
0xf: {  	s17 =	sshrl.u32 s17, $0x3;
	s11 =	sadd.s32 s6, s5;
	s6 =	smul.u32 $0x2800, s24  }
0x10: {  	s5 =	sadd.s32 $0xB8600, s9;
	s18 =	sshrl.u32 s31, $0x3;
	s19 =	sshrl.u32 s14, $0x3  }
0x11: {  	s24 =	simm.s32 $0x14180;
	s11 =	sadd.s32 $0xE0600, s11;
	s13 =	sshrl.u32 s6, $0x3  }
0x12: {  	s7 =	sadd.s32 s16, s13;
	s8 =	sadd.s32 s15, s13;
	s13 =	sor.u32 $0x10, s13  }
0x13: {  	s14 =	sadd.s32 s18, s16;
	s6 =	sor.u32 $0x1C03, s30;
	s9 =	sadd.s32 s16, s13  }
0x14: {  	s10 =	sadd.s32 s15, s13;
	s13 =	sadd.s32 s18, s15;
	s15 =	sadd.s32 s19, s15  }
0x15: {  	s16 =	sadd.s32 s19, s16;
	s18 =	simm.s32 $0x3;
	s19 =	simm.s32 $0x14000  }
.LBB2_1:
0x16: {  	[spmem:s17], [sflag:s6] =	dma.local [hbm:s5], $0x2800  }
0x17: {  	_ =	swait.ge [sflag:s18], $0x2800  }
0x18: {  	[sflag:s18] =	ssyncset.done $0x0  }
0x19: {  	[sflag:s18] =	ssyncadd.s32 $0xFFFFD800  }
0x1a: {  	[bflag:$0x0] =	sbarrier.arrive $0xFFFF  }
0x1b: {  	[tilespmem:s19], [sflag:$0x3] =	stream.linear.gather [hbm4b:s7+s3], $0x80, $0x38;
	[tilespmem:$0x1C200] =	vst v63  }
0x1c: {  	_ =	swait.ge [sflag:s18], $0x80  }
0x1d: {  	[sflag:s18] =	ssyncset.done $0x0  }
0x1e: {  	[sflag:s18] =	ssyncadd.s32 $0xFFFFFF80  }
0x1f: {  	[tilespmem:s20], [sflag:$0x3] =	stream.linear.gather [hbm4b:s8+s3], $0x80, $0x38;
	[tilespmem:$0x1C200] =	vst v63  }
0x20: {  	_ =	swait.ge [sflag:s18], $0x80  }
0x21: {  	[sflag:s18] =	ssyncset.done $0x0  }
0x22: {  	[sflag:s18] =	ssyncadd.s32 $0xFFFFFF80  }
0x23: {  	[tilespmem:s22], [sflag:$0x1] =	stream.indirect.gather [hbm4b:s4+s21], $0x80, s19, s21, $0xb8;
	[tilespmem:$0x1C200] =	vst v63  }
0x24: {  	_ = 	snop  }
0x25: {  	[tilespmem:s23], [sflag:$0x3] =	stream.linear.gather [hbm4b:s9+s3], $0x80, $0x38;
	[tilespmem:$0x1C200] =	vst v63  }
0x26: {  	_ =	swait.ge [sflag:s18], $0x80  }
0x27: {  	[sflag:s18] =	ssyncset.done $0x0  }
0x28: {  	[sflag:s18] =	ssyncadd.s32 $0xFFFFFF80  }
0x29: {  	[tilespmem:s24], [sflag:$0x3] =	stream.linear.gather [hbm4b:s10+s3], $0x80, $0x38;
	[tilespmem:$0x1C200] =	vst v63  }
0x2a: {  	_ =	swait.ge [sflag:s18], $0x80  }
0x2b: {  	[sflag:s18] =	ssyncset.done $0x0  }
0x2c: {  	[sflag:s18] =	ssyncadd.s32 $0xFFFFFF80  }
0x2d: {  	[tilespmem:s25], [sflag:$0x2] =	stream.indirect.gather [hbm4b:s4+s21], $0x80, s23, s21, $0xb8;
	[tilespmem:$0x1C200] =	vst v63  }
0x2e: {  	_ =	swait.ge [sflag:s26], $0x4000  }
0x2f: {  	[sflag:s26] =	ssyncset.done $0x0  }
0x30: {  	[sflag:s26] =	ssyncadd.s32 $0xFFFFC000  }
0x31: {  	[spmem:s2] =	stream.indirect.scatter.add.f32 [tilespmem:s22], [sflag:$0x3], $0x80, s20, s21, $0xb8;
	[tilespmem:$0x1C200] =	vst v63  }
0x32: {  	_ =	swait.ge [sflag:s18], $0x4000  }
0x33: {  	[sflag:s18] =	ssyncset.done $0x0  }
0x34: {  	s30 =	sadd.s32 $0x0, s16;
	[sflag:s18] =	ssyncadd.s32 $0xFFFFC000  }
0x35: {  	[tilespmem:s19], [sflag:$0x3] =	stream.linear.gather [hbm4b:s30+s3], $0x80, $0x38;
	[tilespmem:$0x1C200] =	vst v63  }
0x36: {  	_ =	swait.ge [sflag:s18], $0x80  }
0x37: {  	[sflag:s18] =	ssyncset.done $0x0  }
0x38: {  	s30 =	sadd.s32 $0x0, s15;
	[sflag:s18] =	ssyncadd.s32 $0xFFFFFF80  }
0x39: {  	[tilespmem:s20], [sflag:$0x3] =	stream.linear.gather [hbm4b:s30+s3], $0x80, $0x38;
	[tilespmem:$0x1C200] =	vst v63  }
0x3a: {  	_ =	swait.ge [sflag:s18], $0x80  }
0x3b: {  	[sflag:s18] =	ssyncset.done $0x0  }
0x3c: {  	[sflag:s18] =	ssyncadd.s32 $0xFFFFFF80  }
0x3d: {  	[tilespmem:s22], [sflag:$0x1] =	stream.indirect.gather [hbm4b:s4+s21], $0x80, s19, s21, $0xb8;
	[tilespmem:$0x1C200] =	vst v63  }
0x3e: {  	_ =	swait.ge [sflag:s28], $0x4000  }
0x3f: {  	[sflag:s28] =	ssyncset.done $0x0  }
0x40: {  	[sflag:s28] =	ssyncadd.s32 $0xFFFFC000  }
0x41: {  	[spmem:s2] =	stream.indirect.scatter.add.f32 [tilespmem:s25], [sflag:$0x3], $0x80, s24, s21, $0xb8;
	[tilespmem:$0x1C200] =	vst v63  }
0x42: {  	_ =	swait.ge [sflag:s18], $0x4000  }
0x43: {  	[sflag:s18] =	ssyncset.done $0x0  }
0x44: {  	s30 =	sadd.s32 $0x0, s14;
	[sflag:s18] =	ssyncadd.s32 $0xFFFFC000  }
0x45: {  	[tilespmem:s23], [sflag:$0x3] =	stream.linear.gather [hbm4b:s30+s3], $0x80, $0x38;
	[tilespmem:$0x1C200] =	vst v63  }
0x46: {  	_ =	swait.ge [sflag:s18], $0x80  }
0x47: {  	[sflag:s18] =	ssyncset.done $0x0  }
0x48: {  	s30 =	sadd.s32 $0x0, s13;
	[sflag:s18] =	ssyncadd.s32 $0xFFFFFF80  }
0x49: {  	[tilespmem:s24], [sflag:$0x3] =	stream.linear.gather [hbm4b:s30+s3], $0x80, $0x38;
	[tilespmem:$0x1C200] =	vst v63  }
0x4a: {  	_ =	swait.ge [sflag:s18], $0x80  }
0x4b: {  	[sflag:s18] =	ssyncset.done $0x0  }
0x4c: {  	s30 =	simm.s32 $0x20;
	[sflag:s18] =	ssyncadd.s32 $0xFFFFFF80  }
.LBB2_2:
0x4d: {  	[tilespmem:s25], [sflag:$0x2] =	stream.indirect.gather [hbm4b:s4+s21], $0x80, s23, s21, $0xb8;
	[tilespmem:$0x1C200] =	vst v63  }
0x4e: {  	s31 =	smov.u32 s30  }
0x4f: {  	p0 =	sne.s32 s30, $0x4C0;
	s30 =	sadd.s32 $0x20, s30;
	_ =	swait.ge [sflag:s26], $0x4000  }
0x50: {  	[sflag:s26] =	ssyncset.done $0x0  }
0x51: {  	[sflag:s26] =	ssyncadd.s32 $0xFFFFC000  }
0x52: {  	[spmem:s2] =	stream.indirect.scatter.add.f32 [tilespmem:s22], [sflag:$0x3], $0x80, s20, s21, $0xb8;
	[tilespmem:$0x1C200] =	vst v63  }
0x53: {  	_ =	swait.ge [sflag:s18], $0x4000  }
0x54: {  	[sflag:s18] =	ssyncset.done $0x0  }
0x55: {  	s0 =	sadd.s32 s31, s16;
	[sflag:s18] =	ssyncadd.s32 $0xFFFFC000  }
0x56: {  	[tilespmem:s19], [sflag:$0x3] =	stream.linear.gather [hbm4b:s0+s3], $0x80, $0x38;
	[tilespmem:$0x1C200] =	vst v63  }
0x57: {  	_ =	swait.ge [sflag:s18], $0x80  }
0x58: {  	[sflag:s18] =	ssyncset.done $0x0  }
0x59: {  	s0 =	sadd.s32 s31, s15;
	[sflag:s18] =	ssyncadd.s32 $0xFFFFFF80  }
0x5a: {  	[tilespmem:s20], [sflag:$0x3] =	stream.linear.gather [hbm4b:s0+s3], $0x80, $0x38;
	[tilespmem:$0x1C200] =	vst v63  }
0x5b: {  	_ =	swait.ge [sflag:s18], $0x80  }
0x5c: {  	[sflag:s18] =	ssyncset.done $0x0  }
0x5d: {  	[sflag:s18] =	ssyncadd.s32 $0xFFFFFF80  }
0x5e: {  	[tilespmem:s22], [sflag:$0x1] =	stream.indirect.gather [hbm4b:s4+s21], $0x80, s19, s21, $0xb8;
	[tilespmem:$0x1C200] =	vst v63  }
0x5f: {  	_ =	swait.ge [sflag:s28], $0x4000  }
0x60: {  	[sflag:s28] =	ssyncset.done $0x0  }
0x61: {  	[sflag:s28] =	ssyncadd.s32 $0xFFFFC000  }
0x62: {  	[spmem:s2] =	stream.indirect.scatter.add.f32 [tilespmem:s25], [sflag:$0x3], $0x80, s24, s21, $0xb8;
	[tilespmem:$0x1C200] =	vst v63  }
0x63: {  	_ =	swait.ge [sflag:s18], $0x4000  }
0x64: {  	[sflag:s18] =	ssyncset.done $0x0  }
0x65: {  	s0 =	sadd.s32 s31, s14;
	[sflag:s18] =	ssyncadd.s32 $0xFFFFC000  }
0x66: {  	[tilespmem:s23], [sflag:$0x3] =	stream.linear.gather [hbm4b:s0+s3], $0x80, $0x38;
	[tilespmem:$0x1C200] =	vst v63  }
0x67: {  	_ =	swait.ge [sflag:s18], $0x80  }
0x68: {  	[sflag:s18] =	ssyncset.done $0x0  }
.Ltmp0:
0x69: {  	s0 =	sadd.s32 s31, s13;
	[sflag:s18] =	ssyncadd.s32 $0xFFFFFF80;
	(pc) =	sbr.rel @p0 .LBB2_2-.Ltmp0, $4  }
0x6a: {  	[tilespmem:s24], [sflag:$0x3] =	stream.linear.gather [hbm4b:s0+s3], $0x80, $0x38;
	[tilespmem:$0x1C200] =	vst v63  }
0x6b: {  	_ =	swait.ge [sflag:s18], $0x80  }
0x6c: {  	[sflag:s18] =	ssyncset.done $0x0  }
0x6d: {  	[sflag:s18] =	ssyncadd.s32 $0xFFFFFF80  }
0x6e: {  	[tilespmem:s25], [sflag:$0x2] =	stream.indirect.gather [hbm4b:s4+s21], $0x80, s23, s21, $0xb8;
	[tilespmem:$0x1C200] =	vst v63  }
0x6f: {  	_ =	swait.ge [sflag:s26], $0x4000  }
0x70: {  	[sflag:s26] =	ssyncset.done $0x0  }
0x71: {  	[sflag:s26] =	ssyncadd.s32 $0xFFFFC000  }
0x72: {  	[spmem:s2] =	stream.indirect.scatter.add.f32 [tilespmem:s22], [sflag:$0x3], $0x80, s20, s21, $0xb8;
	[tilespmem:$0x1C200] =	vst v63  }
0x73: {  	_ =	swait.ge [sflag:s18], $0x4000  }
0x74: {  	[sflag:s18] =	ssyncset.done $0x0  }
0x75: {  	[sflag:s18] =	ssyncadd.s32 $0xFFFFC000  }
0x76: {  	_ =	swait.ge [sflag:s28], $0x4000  }
0x77: {  	[sflag:s28] =	ssyncset.done $0x0  }
0x78: {  	[sflag:s28] =	ssyncadd.s32 $0xFFFFC000  }
0x79: {  	[spmem:s2] =	stream.indirect.scatter.add.f32 [tilespmem:s25], [sflag:$0x3], $0x80, s24, s21, $0xb8;
	[tilespmem:$0x1C200] =	vst v63  }
0x7a: {  	_ =	swait.ge [sflag:s18], $0x4000  }
0x7b: {  	s29 =	sadd.s32 $0x1, s29;
	[sflag:s18] =	ssyncset.done $0x0  }
0x7c: {  	p0 =	sne.s32 s29, s12;
	[sflag:s18] =	ssyncadd.s32 $0xFFFFC000  }
.Ltmp1:
0x7d: {  	[bflag:$0x0] =	sbarrier.arrive $0xFFFF;
	(pc) =	sbr.rel @p0 .LBB2_1-.Ltmp1, $4  }
0x7e: {  	[hbm:s11], [sflag:s6] =	dma.local [spmem:s17], $0x2800  }
0x7f: {  	_ =	swait.ge [sflag:s18], $0x2800  }
0x80: {  	[sflag:s18] =	ssyncset.done $0x0  }
0x81: {  	[sflag:s18] =	ssyncadd.s32 $0xFFFFD800  }
0x82: {  	_ =	sfence.sel $0x180000  }
0x83: {  	[bflag:$0x0] =	sbarrier.arrive $0xFFFF  }
0x84: {  	_ =	strace $0x9000004A  }
0x85: {  	[bflag:$0x2] =	sbarrier.arrive $0xFFFF  }
0x86: {  	p0 =	sne.s32 s1, $0x0;
	s0 =	rddreg [dreg:$0x2]  }
0x87: {  	s0 =	sadd.s32 @!p0 $0x100000, s0  }
0x88: {  	[sflag:s0] =	ssyncadd.tile.s32 @!p0 $0x1;
	_ =	shalt  }
.Lfunc_end2:
_tile_overlayer_lowered:
.L_overlay_start_2:
0x89: {  	(tag) =	ssettag $0x2  }
0x8a: {  	s0 =	rddreg [dreg:$0x0];
	s2 =	stileid.u32  }
0x8b: {  	s1 =	rddreg [dreg:$0x1];
	p0 =	sne.s32 s2, $0x0  }
0x8c: {  	s3 =	rddreg [dreg:$0x2];
	[bflag:$0x3] =	sbarrier.arrive $0xFFFF;
	s2 =	simm.s32 @!p0 $0x1C03  }
0x8d: {  	[timem:s3], [sflag:s2] =	dma.local @!p0 [hbm:s0], s1  }
0x8e: {  	s0 =	simm.s32 @!p0 $0x3  }
0x8f: {  	_ =	swait.ge @!p0 [sflag:s0], s1  }
0x90: {  	s1 =	ssub.s32 @!p0 $0x0, s1;
	[sflag:s0] =	ssyncset.done @!p0 $0x0  }
0x91: {  	[sflag:s0] =	ssyncadd.s32 @!p0 s1  }
0x92: {  	[bflag:$0x3] =	sbarrier.arrive $0xFFFF  }
0x93: {  	_ =	shalt  }

// kernel: kernel.14.cloned.1.call-start
scs
__scs_entry_jumppad:
0x0: {  	(pc) =	sbr.rel $0x88, $3  }
0x1: {  	(tag) =	ssettag $0x0;
	lr =	simm.s32 $0x1  }
0x2: {  	[smem:$0x3F94] =	sst lr;
	_ =	strace $0xD0000000  }
0x3: {  	_ = 	snop  }
0x4: {  	_ = 	snop  }
0x5: {  	_ = 	snop  }
0x6: {  	_ = 	snop  }
0x7: {  	_ = 	snop  }
__scs_overlays_trampoline_lowered:
0x8: {  	[smem:$0x3FA3] =	sst s0  }
0x9: {  	[smem:$0x3FA4] =	sst s1  }
0xa: {  	[smem:$0x3FA5] =	sst s2  }
0xb: {  	[smem:$0x3FA6] =	sst s3  }
0xc: {  	[smem:$0x3FA7] =	sst s4  }
0xd: {  	[smem:$0x3FA8] =	sst s5  }
0xe: {  	[smem:$0x3FA9] =	sst s6  }
0xf: {  	[smem:$0x3FAA] =	sst s7  }
0x10: {  	[smem:$0x3FAB] =	sst s8  }
0x11: {  	[smem:$0x3FAC] =	sst s9;
	s0 =	simm.s32 @!p0 $0x0  }
0x12: {  	s1 =	sld [smem:$0x3F92];
	s0 =	simm.s32 @p0 $0x1  }
0x13: {  	[smem:$0x3FAD] =	sst s0;
	s0 =	simm.s32 @!p1 $0x0  }
0x14: {  	s2 =	sld [smem:$0x3F91];
	s0 =	simm.s32 @p1 $0x1  }
0x15: {  	[smem:$0x3FAE] =	sst s0;
	s0 =	simm.s32 @!p2 $0x0  }
0x16: {  	s3 =	sld [smem:$0x3FDB];
	s0 =	simm.s32 @p2 $0x1  }
0x17: {  	s4 =	simm.s32 $0x1BF5;
	[smem:$0x3FB0] =	sst s0  }
0x18: {  	s0 =	sld [smem:$0x3F93];
	_ =	swait.ge [sflag:s4], $0x0  }
0x19: {  	s7 =	sld [smem:$0x3F94]  }
0x1a: {  	s8 =	sadd.s32 $0xFFFFE003, lr  }
0x1b: {  	s9 =	sadd.s32 $0xFFFFFEF7, lr;
	s5 =	simm.s32 $0xFFFFFFFF;
	p2 =	slt.u32 s8, $0xFFFFF086  }
0x1c: {  	p1 =	slt.u32 s9, $0xF7A;
	s5 =	simm.s32 @!p2 $0x0  }
0x1d: {  	s5 =	simm.s32 @p1 $0x1;
	p0 =	seq.s32 s7, s2  }
0x1e: {  	s7 =	smul.u32 @!p0 $0xF7A, s2;
	p2 =	seq.s32 @!p0 s5, $0x0  }
0x1f: {  	s9 =	smul.u32 $0xF7A, s1;
	s8 =	simm.s32 @!p0 $0x1BF5;
	p2 =	por !p2, p0  }
0x20: {  	[sflag:s8] =	ssyncset.s32 @!p0 $0xFFFFF086;
	s6 =	sadd.s32 @!p0 s3, s7;
	s7 =	simm.s32 @!p0 $0x108  }
0x21: {  	s3 =	sadd.s32 s3, s9;
	s6 =	sadd.s32 @!p0 $0x88, s6;
	s7 =	simm.s32 @p2 $0x1082  }
0x22: {  	[simem:s7], [sflag:s8] =	dma.local @!p0 [hbm:s6], $0xF7A  }
0x23: {  	s9 =	sor.u32 $0xD0000000, s2;
	s6 =	simm.s32 $0x108;
	_ =	swait.ge @!p0 [sflag:s8], $0x0  }
0x24: {  	s3 =	sadd.s32 $0x88, s3;
	s6 =	simm.s32 @!p1 $0x1082;
	[sflag:s4] =	ssyncset.s32 $0xFFFFF086  }
0x25: {  	[simem:s6], [sflag:s4] =	dma.local [hbm:s3], $0xF7A  }
0x26: {  	[smem:$0x3F94] =	sst s1;
	(tag) =	ssettag s2;
	_ =	strace s9  }
0x27: {  	s1 =	sld [smem:$0x3FA4]  }
0x28: {  	s2 =	sld [smem:$0x3FA5]  }
0x29: {  	s4 =	sld [smem:$0x3FA7]  }
0x2a: {  	p0 =	seq.s32 s5, $0x0;
	s5 =	sld [smem:$0x3FA8]  }
0x2b: {  	s6 =	sld [smem:$0x3FA9]  }
0x2c: {  	s7 =	sld [smem:$0x3FAA]  }
0x2d: {  	s3 =	simm.s32 $0x108;
	s8 =	sld [smem:$0x3FAB]  }
0x2e: {  	s3 =	simm.s32 @!p0 $0x1082;
	s9 =	sld [smem:$0x3FAC]  }
0x2f: {  	lr =	sadd.s32 s0, s3;
	s0 =	sld [smem:$0x3FA3]  }
0x30: {  	s3 =	sld [smem:$0x3FA6]  }
0x31: {  	[smem:$0x3FAF] =	sst s10  }
0x32: {  	s10 =	sld [smem:$0x3FAD];
	_ =	sdelay $0x3  }
0x33: {  	p0 =	seq.s32 s10, $0x1;
	s10 =	sld [smem:$0x3FAF];
	_ =	sdelay $0x3  }
0x34: {  	[smem:$0x3FAF] =	sst s10  }
0x35: {  	s10 =	sld [smem:$0x3FAE];
	_ =	sdelay $0x3  }
0x36: {  	p1 =	seq.s32 s10, $0x1;
	s10 =	sld [smem:$0x3FAF];
	_ =	sdelay $0x3  }
0x37: {  	[smem:$0x3FAF] =	sst s10  }
0x38: {  	s10 =	sld [smem:$0x3FB0]  }
0x39: {  	_ = 	snop;
	(pc) =	sbr.ind lr, $3  }
0x3a: {  	_ = 	snop  }
0x3b: {  	_ = 	snop  }
0x3c: {  	p2 =	seq.s32 s10, $0x1;
	s10 =	sld [smem:$0x3FAF]  }
0x3d: {  	_ =	shalt  }
0x3e: {  	_ =	shalt  }
0x3f: {  	_ =	shalt  }
0x40: {  	_ =	shalt  }
0x41: {  	_ =	shalt  }
0x42: {  	_ =	shalt  }
0x43: {  	_ =	shalt  }
0x44: {  	_ =	shalt  }
0x45: {  	_ =	shalt  }
0x46: {  	_ =	shalt  }
0x47: {  	_ =	shalt  }
0x48: {  	_ =	shalt  }
0x49: {  	_ =	shalt  }
0x4a: {  	_ =	shalt  }
0x4b: {  	_ =	shalt  }
0x4c: {  	_ =	shalt  }
0x4d: {  	_ =	shalt  }
0x4e: {  	_ =	shalt  }
0x4f: {  	_ =	shalt  }
0x50: {  	_ =	shalt  }
0x51: {  	_ =	shalt  }
0x52: {  	_ =	shalt  }
0x53: {  	_ =	shalt  }
0x54: {  	_ =	shalt  }
0x55: {  	_ =	shalt  }
0x56: {  	_ =	shalt  }
0x57: {  	_ =	shalt  }
0x58: {  	_ =	shalt  }
0x59: {  	_ =	shalt  }
0x5a: {  	_ =	shalt  }
0x5b: {  	_ =	shalt  }
0x5c: {  	_ =	shalt  }
0x5d: {  	_ =	shalt  }
0x5e: {  	_ =	shalt  }
0x5f: {  	_ =	shalt  }
0x60: {  	_ =	shalt  }
0x61: {  	_ =	shalt  }
0x62: {  	_ =	shalt  }
0x63: {  	_ =	shalt  }
0x64: {  	_ =	shalt  }
0x65: {  	_ =	shalt  }
0x66: {  	_ =	shalt  }
0x67: {  	_ =	shalt  }
0x68: {  	_ =	shalt  }
0x69: {  	_ =	shalt  }
0x6a: {  	_ =	shalt  }
0x6b: {  	_ =	shalt  }
0x6c: {  	_ =	shalt  }
0x6d: {  	_ =	shalt  }
0x6e: {  	_ =	shalt  }
0x6f: {  	_ =	shalt  }
0x70: {  	_ =	shalt  }
0x71: {  	_ =	shalt  }
0x72: {  	_ =	shalt  }
0x73: {  	_ =	shalt  }
0x74: {  	_ =	shalt  }
0x75: {  	_ =	shalt  }
0x76: {  	_ =	shalt  }
0x77: {  	_ =	shalt  }
0x78: {  	_ =	shalt  }
0x79: {  	_ =	shalt  }
0x7a: {  	_ =	shalt  }
0x7b: {  	_ =	shalt  }
0x7c: {  	_ =	shalt  }
0x7d: {  	_ =	shalt  }
0x7e: {  	_ =	shalt  }
0x7f: {  	_ =	shalt  }
0x80: {  	_ =	shalt  }
0x81: {  	_ =	shalt  }
0x82: {  	_ =	shalt  }
0x83: {  	_ =	shalt  }
0x84: {  	_ =	shalt  }
0x85: {  	_ =	shalt  }
0x86: {  	_ =	shalt  }
0x87: {  	_ =	shalt  }
.Lfunc_end0:
.L_simem_size_0:
called_computation.2_lowered:
.L_overlay_start_0:
0x88: {  	s2 =	sld [smem:$0x3FD9]  }
0x89: {  	s3 =	sld [smem:$0x3FFE];
	_ =	sdelay $0x1  }
0x8a: {  	s1 =	srdreg.scid  }
0x8b: {  	s0 =	sand.u32 $0x1, s1  }
0x8c: {  	s16 =	sshll.u32 s0, $0xA;
	s2 =	sadd.s32 s3, s2  }
0x8d: {  	s2 =	sadd.s32 s2, s16  }
0x8e: {  	[smem:$0x3FBB] =	sst s2  }
0x8f: {  	_ = 	snop  }
0x90: {  	(tm) =	ssettm $0x1  }
0x91: {  	s17 =	sld [smem:$0x3FFB];
	_ =	sdelay $0x3  }
0x92: {  	_ =	strace s17  }
0x93: {  	s2 =	sld [smem:$0x3FFC];
	_ =	sdelay $0x3  }
0x94: {  	_ =	strace s2  }
0x95: {  	s2 =	sld [smem:$0x3FFD];
	_ =	sdelay $0x3  }
0x96: {  	_ =	strace s2  }
0x97: {  	_ =	strace $0x8FFFFFFF  }
0x98: {  	s18 =	sld [smem:$0x3FDB];
	_ =	sdelay $0x1  }
0x99: {  	s19 =	simm.s32 $_scs_section_size  }
0x9a: {  	s4 =	simm.s32 $_size__tile_overlayer_lowered;
	s5 =	simm.s32 $_tile_overlayer_lowered  }
0x9b: {  	s22 =	simm.s32 $0x1BFF;
	s21 =	sshll.u32 s5, $0x1;
	s2 =	sadd.s32 s19, s18  }
0x9c: {  	s6 =	simm.s32 $0x0;
	s20 =	sshll.u32 s4, $0x1;
	s4 =	sadd.s32 s21, s2  }
0x9d: {  	[timem:s6], [sflag:s22] =	dma.local [hbm:s4], s20  }
0x9e: {  	_ =	swait.ge [sflag:s22], s20  }
0x9f: {  	s3 =	ssub.s32 $0x0, s20;
	[sflag:s22] =	ssyncset.done $0x0  }
0xa0: {  	[sflag:s22] =	ssyncadd.s32 s3;
	_ =	sdelay $0x1  }
0xa1: {  	s23 =	simm.s32 $0x1B8B  }
0xa2: {  	_ =	swait.ge [sflag:s23], $0x1  }
0xa3: {  	[sflag:s23] =	ssyncset.done $0x0  }
0xa4: {  	s25 =	simm.s32 $0x1B8E;
	s24 =	sld [smem:$0x3FFE];
	[sflag:s23] =	ssyncadd.s32 $0xFFFFFFFF  }
0xa5: {  	s26 =	simm.s32 $execute0_lowered;
	[smem:$0x3FD2] =	sst s25  }
0xa6: {  	s4 =	sshll.u32 s26, $0x1;
	_ =	strace $0x8000004C;
	[dreg:$0x1] =	wrdreg $0xFFFFFFFF  }
0xa7: {  	s28 =	simm.s32 $_size_execute0_lowered;
	s2 =	sadd.s32 s2, s4;
	[dreg:$0x0] =	wrdreg $0x0  }
0xa8: {  	s4 =	sshll.u32 s28, $0x1;
	[dreg:$0x2] =	wrdreg s2  }
0xa9: {  	[dreg:$0x3] =	wrdreg s4  }
0xaa: {  	[dreg:$0x4] =	wrdreg $0xC0  }
0xab: {  	_ =	task [dreg:s6], $0x5FFFF  }
0xac: {  	[dreg:$0x1] =	wrdreg $0xFFFFFFFF  }
0xad: {  	[dreg:$0x0] =	wrdreg $0x60  }
0xae: {  	[dreg:$0x2] =	wrdreg s24  }
0xaf: {  	[dreg:$0x3] =	wrdreg $0x0  }
0xb0: {  	[dreg:$0x4] =	wrdreg $0x9  }
0xb1: {  	_ =	task.clear_ibuf [dreg:s6], $0x5FFFF;
	_ =	strace $0x9000004C  }
0xb2: {  	s29 =	simm.s32 $0x9;
	_ =	strace $0x8000004E  }
0xb3: {  	_ =	swait.ge [sflag:s29], $0x1  }
0xb4: {  	[sflag:s29] =	ssyncadd.s32 $0xFFFFFFFF  }
0xb5: {  	_ =	strace $0x9000004E  }
0xb6: {  	_ =	sfence  }
0xb7: {  	s30 =	sld [smem:$0x0];
	_ =	sdelay $0x2  }
0xb8: {  	s31 =	sshll.u32 s1, $0xD;
	s1 =	sshrl.u32 s1, $0x2  }
0xb9: {  	s3 =	sand.u32 $0x4000, s31;
	s1 =	sadd.s32 s1, s30  }
0xba: {  	s0 =	sor.u32 s3, s0;
	s1 =	sshll.u32 s1, $0x11  }
0xbb: {  	s0 =	sor.u32 s1, s0  }
0xbc: {  	s0 =	sadd.s32 $0x8F2B, s0  }
0xbd: {  	[sflag:s0] =	ssyncadd.remote.s32 $0x1  }
0xbe: {  	_ =	sfence.sel $0xFFFF  }
0xbf: {  	[dreg:$0x0] =	wrdreg $0xFFFFFFFF;
	(pc) =	sbr.abs _section_cstart, $3  }
0xc0: {  	[dreg:$0x1] =	wrdreg $0xFFFFFFFF  }
0xc1: {  	_ =	task.clear_ibuf [dreg:s6], $0x2FFFF;
	_ =	strace $0x9FFFFFFF  }
0xc2: {  	(tm) =	ssettm $0x7FFFFFFF  }
0xc3: {  	_ =	shalt  }
tec
execute0_lowered:
.L_overlay_start_1:
0x0: {  	(tag) =	ssettag $0x1  }
0x1: {  	s5 =	rddreg [dreg:$0x0]  }
0x2: {  	s2 =	rddreg [dreg:$0x1];
	s3 =	simm.s32 $0x0;
	s1 =	stileid.u32  }
0x3: {  	s4 =	srdreg.scid;
	s20 =	simm.s32 $0x14080;
	s21 =	simm.s32 $0x80  }
0x4: {  	s28 =	simm.s32 $0x2;
	s29 =	simm.s32 $0x0;
	[smem:$0x7FF] =	sst s3  }
0x5: {  	s6 =	smul.u32 $0x14000, s1;
	s7 =	sand.u32 $0x1, s4;
	s4 =	sadd.s32 $0x68600, s5  }
0x6: {  	s16 =	sadd.s32 $0xE600, s5;
	s15 =	sadd.s32 $0x3600, s5;
	s10 =	smul.u32 $0x50000, s1  }
0x7: {  	s30 =	sshll.u32 s1, $0x6;
	s14 =	smul.u32 $0x2800, s1;
	_ =	strace $0x8000004D  }
0x8: {  	s8 =	smul.u32 $0x140000, s7;
	s22 =	sshll.u32 s7, $0x4;
	s23 =	ssub.s32 $0x2, s7  }
0x9: {  	s26 =	smul.u32 $0x28000, s7;
	s9 =	sshrl.u32 s6, $0x3;
	s24 =	sor.u32 s1, s22  }
0xa: {  	s25 =	sshrl.u32 s23, $0x1;
	s10 =	sshrl.u32 s10, $0x2;
	s22 =	simm.s32 $0x14200  }
0xb: {  	s9 =	sadd.s32 s9, s5;
	s6 =	sadd.s32 s6, s8;
	s12 =	ssub.s32 s23, s25  }
0xc: {  	s17 =	sadd.s32 s10, s2;
	s14 =	sadd.s32 s14, s26;
	s23 =	simm.s32 $0x14100  }
0xd: {  	s25 =	simm.s32 $0x18200;
	s26 =	simm.s32 $0x1;
	s6 =	sshrl.u32 s6, $0x3  }
0xe: {  	s31 =	sor.u32 $0x180, s14;
	s14 =	sor.u32 $0x100, s14;
	s12 =	smax.u32 s12, $0x1  }
0xf: {  	s17 =	sshrl.u32 s17, $0x3;
	s11 =	sadd.s32 s6, s5;
	s6 =	smul.u32 $0x2800, s24  }
0x10: {  	s5 =	sadd.s32 $0xB8600, s9;
	s18 =	sshrl.u32 s31, $0x3;
	s19 =	sshrl.u32 s14, $0x3  }
0x11: {  	s24 =	simm.s32 $0x14180;
	s11 =	sadd.s32 $0xE0600, s11;
	s13 =	sshrl.u32 s6, $0x3  }
0x12: {  	s7 =	sadd.s32 s16, s13;
	s8 =	sadd.s32 s15, s13;
	s13 =	sor.u32 $0x10, s13  }
0x13: {  	s14 =	sadd.s32 s18, s16;
	s6 =	sor.u32 $0x1C03, s30;
	s9 =	sadd.s32 s16, s13  }
0x14: {  	s10 =	sadd.s32 s15, s13;
	s13 =	sadd.s32 s18, s15;
	s15 =	sadd.s32 s19, s15  }
0x15: {  	s16 =	sadd.s32 s19, s16;
	s18 =	simm.s32 $0x3;
	s19 =	simm.s32 $0x14000  }
.LBB2_1:
0x16: {  	[spmem:s17], [sflag:s6] =	dma.local [hbm:s5], $0x2800  }
0x17: {  	_ =	swait.ge [sflag:s18], $0x2800  }
0x18: {  	[sflag:s18] =	ssyncset.done $0x0  }
0x19: {  	[sflag:s18] =	ssyncadd.s32 $0xFFFFD800  }
0x1a: {  	[bflag:$0x0] =	sbarrier.arrive $0xFFFF  }
0x1b: {  	[tilespmem:s19], [sflag:$0x3] =	stream.linear.gather [hbm4b:s7+s3], $0x80, $0x38;
	[tilespmem:$0x1C200] =	vst v63  }
0x1c: {  	_ =	swait.ge [sflag:s18], $0x80  }
0x1d: {  	[sflag:s18] =	ssyncset.done $0x0  }
0x1e: {  	[sflag:s18] =	ssyncadd.s32 $0xFFFFFF80  }
0x1f: {  	[tilespmem:s20], [sflag:$0x3] =	stream.linear.gather [hbm4b:s8+s3], $0x80, $0x38;
	[tilespmem:$0x1C200] =	vst v63  }
0x20: {  	_ =	swait.ge [sflag:s18], $0x80  }
0x21: {  	[sflag:s18] =	ssyncset.done $0x0  }
0x22: {  	[sflag:s18] =	ssyncadd.s32 $0xFFFFFF80  }
0x23: {  	[tilespmem:s22], [sflag:$0x1] =	stream.indirect.gather [hbm4b:s4+s21], $0x80, s19, s21, $0xb8;
	[tilespmem:$0x1C200] =	vst v63  }
0x24: {  	_ = 	snop  }
0x25: {  	[tilespmem:s23], [sflag:$0x3] =	stream.linear.gather [hbm4b:s9+s3], $0x80, $0x38;
	[tilespmem:$0x1C200] =	vst v63  }
0x26: {  	_ =	swait.ge [sflag:s18], $0x80  }
0x27: {  	[sflag:s18] =	ssyncset.done $0x0  }
0x28: {  	[sflag:s18] =	ssyncadd.s32 $0xFFFFFF80  }
0x29: {  	[tilespmem:s24], [sflag:$0x3] =	stream.linear.gather [hbm4b:s10+s3], $0x80, $0x38;
	[tilespmem:$0x1C200] =	vst v63  }
0x2a: {  	_ =	swait.ge [sflag:s18], $0x80  }
0x2b: {  	[sflag:s18] =	ssyncset.done $0x0  }
0x2c: {  	[sflag:s18] =	ssyncadd.s32 $0xFFFFFF80  }
0x2d: {  	[tilespmem:s25], [sflag:$0x2] =	stream.indirect.gather [hbm4b:s4+s21], $0x80, s23, s21, $0xb8;
	[tilespmem:$0x1C200] =	vst v63  }
0x2e: {  	_ =	swait.ge [sflag:s26], $0x4000  }
0x2f: {  	[sflag:s26] =	ssyncset.done $0x0  }
0x30: {  	[sflag:s26] =	ssyncadd.s32 $0xFFFFC000  }
0x31: {  	[spmem:s2] =	stream.indirect.scatter.add.f32 [tilespmem:s22], [sflag:$0x3], $0x80, s20, s21, $0xb8;
	[tilespmem:$0x1C200] =	vst v63  }
0x32: {  	_ =	swait.ge [sflag:s18], $0x4000  }
0x33: {  	[sflag:s18] =	ssyncset.done $0x0  }
0x34: {  	s30 =	sadd.s32 $0x0, s16;
	[sflag:s18] =	ssyncadd.s32 $0xFFFFC000  }
0x35: {  	[tilespmem:s19], [sflag:$0x3] =	stream.linear.gather [hbm4b:s30+s3], $0x80, $0x38;
	[tilespmem:$0x1C200] =	vst v63  }
0x36: {  	_ =	swait.ge [sflag:s18], $0x80  }
0x37: {  	[sflag:s18] =	ssyncset.done $0x0  }
0x38: {  	s30 =	sadd.s32 $0x0, s15;
	[sflag:s18] =	ssyncadd.s32 $0xFFFFFF80  }
0x39: {  	[tilespmem:s20], [sflag:$0x3] =	stream.linear.gather [hbm4b:s30+s3], $0x80, $0x38;
	[tilespmem:$0x1C200] =	vst v63  }
0x3a: {  	_ =	swait.ge [sflag:s18], $0x80  }
0x3b: {  	[sflag:s18] =	ssyncset.done $0x0  }
0x3c: {  	[sflag:s18] =	ssyncadd.s32 $0xFFFFFF80  }
0x3d: {  	[tilespmem:s22], [sflag:$0x1] =	stream.indirect.gather [hbm4b:s4+s21], $0x80, s19, s21, $0xb8;
	[tilespmem:$0x1C200] =	vst v63  }
0x3e: {  	_ =	swait.ge [sflag:s28], $0x4000  }
0x3f: {  	[sflag:s28] =	ssyncset.done $0x0  }
0x40: {  	[sflag:s28] =	ssyncadd.s32 $0xFFFFC000  }
0x41: {  	[spmem:s2] =	stream.indirect.scatter.add.f32 [tilespmem:s25], [sflag:$0x3], $0x80, s24, s21, $0xb8;
	[tilespmem:$0x1C200] =	vst v63  }
0x42: {  	_ =	swait.ge [sflag:s18], $0x4000  }
0x43: {  	[sflag:s18] =	ssyncset.done $0x0  }
0x44: {  	s30 =	sadd.s32 $0x0, s14;
	[sflag:s18] =	ssyncadd.s32 $0xFFFFC000  }
0x45: {  	[tilespmem:s23], [sflag:$0x3] =	stream.linear.gather [hbm4b:s30+s3], $0x80, $0x38;
	[tilespmem:$0x1C200] =	vst v63  }
0x46: {  	_ =	swait.ge [sflag:s18], $0x80  }
0x47: {  	[sflag:s18] =	ssyncset.done $0x0  }
0x48: {  	s30 =	sadd.s32 $0x0, s13;
	[sflag:s18] =	ssyncadd.s32 $0xFFFFFF80  }
0x49: {  	[tilespmem:s24], [sflag:$0x3] =	stream.linear.gather [hbm4b:s30+s3], $0x80, $0x38;
	[tilespmem:$0x1C200] =	vst v63  }
0x4a: {  	_ =	swait.ge [sflag:s18], $0x80  }
0x4b: {  	[sflag:s18] =	ssyncset.done $0x0  }
0x4c: {  	s30 =	simm.s32 $0x20;
	[sflag:s18] =	ssyncadd.s32 $0xFFFFFF80  }
.LBB2_2:
0x4d: {  	[tilespmem:s25], [sflag:$0x2] =	stream.indirect.gather [hbm4b:s4+s21], $0x80, s23, s21, $0xb8;
	[tilespmem:$0x1C200] =	vst v63  }
0x4e: {  	s31 =	smov.u32 s30  }
0x4f: {  	p0 =	sne.s32 s30, $0x4C0;
	s30 =	sadd.s32 $0x20, s30;
	_ =	swait.ge [sflag:s26], $0x4000  }
0x50: {  	[sflag:s26] =	ssyncset.done $0x0  }
0x51: {  	[sflag:s26] =	ssyncadd.s32 $0xFFFFC000  }
0x52: {  	[spmem:s2] =	stream.indirect.scatter.add.f32 [tilespmem:s22], [sflag:$0x3], $0x80, s20, s21, $0xb8;
	[tilespmem:$0x1C200] =	vst v63  }
0x53: {  	_ =	swait.ge [sflag:s18], $0x4000  }
0x54: {  	[sflag:s18] =	ssyncset.done $0x0  }
0x55: {  	s0 =	sadd.s32 s31, s16;
	[sflag:s18] =	ssyncadd.s32 $0xFFFFC000  }
0x56: {  	[tilespmem:s19], [sflag:$0x3] =	stream.linear.gather [hbm4b:s0+s3], $0x80, $0x38;
	[tilespmem:$0x1C200] =	vst v63  }
0x57: {  	_ =	swait.ge [sflag:s18], $0x80  }
0x58: {  	[sflag:s18] =	ssyncset.done $0x0  }
0x59: {  	s0 =	sadd.s32 s31, s15;
	[sflag:s18] =	ssyncadd.s32 $0xFFFFFF80  }
0x5a: {  	[tilespmem:s20], [sflag:$0x3] =	stream.linear.gather [hbm4b:s0+s3], $0x80, $0x38;
	[tilespmem:$0x1C200] =	vst v63  }
0x5b: {  	_ =	swait.ge [sflag:s18], $0x80  }
0x5c: {  	[sflag:s18] =	ssyncset.done $0x0  }
0x5d: {  	[sflag:s18] =	ssyncadd.s32 $0xFFFFFF80  }
0x5e: {  	[tilespmem:s22], [sflag:$0x1] =	stream.indirect.gather [hbm4b:s4+s21], $0x80, s19, s21, $0xb8;
	[tilespmem:$0x1C200] =	vst v63  }
0x5f: {  	_ =	swait.ge [sflag:s28], $0x4000  }
0x60: {  	[sflag:s28] =	ssyncset.done $0x0  }
0x61: {  	[sflag:s28] =	ssyncadd.s32 $0xFFFFC000  }
0x62: {  	[spmem:s2] =	stream.indirect.scatter.add.f32 [tilespmem:s25], [sflag:$0x3], $0x80, s24, s21, $0xb8;
	[tilespmem:$0x1C200] =	vst v63  }
0x63: {  	_ =	swait.ge [sflag:s18], $0x4000  }
0x64: {  	[sflag:s18] =	ssyncset.done $0x0  }
0x65: {  	s0 =	sadd.s32 s31, s14;
	[sflag:s18] =	ssyncadd.s32 $0xFFFFC000  }
0x66: {  	[tilespmem:s23], [sflag:$0x3] =	stream.linear.gather [hbm4b:s0+s3], $0x80, $0x38;
	[tilespmem:$0x1C200] =	vst v63  }
0x67: {  	_ =	swait.ge [sflag:s18], $0x80  }
0x68: {  	[sflag:s18] =	ssyncset.done $0x0  }
.Ltmp0:
0x69: {  	s0 =	sadd.s32 s31, s13;
	[sflag:s18] =	ssyncadd.s32 $0xFFFFFF80;
	(pc) =	sbr.rel @p0 .LBB2_2-.Ltmp0, $4  }
0x6a: {  	[tilespmem:s24], [sflag:$0x3] =	stream.linear.gather [hbm4b:s0+s3], $0x80, $0x38;
	[tilespmem:$0x1C200] =	vst v63  }
0x6b: {  	_ =	swait.ge [sflag:s18], $0x80  }
0x6c: {  	[sflag:s18] =	ssyncset.done $0x0  }
0x6d: {  	[sflag:s18] =	ssyncadd.s32 $0xFFFFFF80  }
0x6e: {  	[tilespmem:s25], [sflag:$0x2] =	stream.indirect.gather [hbm4b:s4+s21], $0x80, s23, s21, $0xb8;
	[tilespmem:$0x1C200] =	vst v63  }
0x6f: {  	_ =	swait.ge [sflag:s26], $0x4000  }
0x70: {  	[sflag:s26] =	ssyncset.done $0x0  }
0x71: {  	[sflag:s26] =	ssyncadd.s32 $0xFFFFC000  }
0x72: {  	[spmem:s2] =	stream.indirect.scatter.add.f32 [tilespmem:s22], [sflag:$0x3], $0x80, s20, s21, $0xb8;
	[tilespmem:$0x1C200] =	vst v63  }
0x73: {  	_ =	swait.ge [sflag:s18], $0x4000  }
0x74: {  	[sflag:s18] =	ssyncset.done $0x0  }
0x75: {  	[sflag:s18] =	ssyncadd.s32 $0xFFFFC000  }
0x76: {  	_ =	swait.ge [sflag:s28], $0x4000  }
0x77: {  	[sflag:s28] =	ssyncset.done $0x0  }
0x78: {  	[sflag:s28] =	ssyncadd.s32 $0xFFFFC000  }
0x79: {  	[spmem:s2] =	stream.indirect.scatter.add.f32 [tilespmem:s25], [sflag:$0x3], $0x80, s24, s21, $0xb8;
	[tilespmem:$0x1C200] =	vst v63  }
0x7a: {  	_ =	swait.ge [sflag:s18], $0x4000  }
0x7b: {  	s29 =	sadd.s32 $0x1, s29;
	[sflag:s18] =	ssyncset.done $0x0  }
0x7c: {  	p0 =	sne.s32 s29, s12;
	[sflag:s18] =	ssyncadd.s32 $0xFFFFC000  }
.Ltmp1:
0x7d: {  	[bflag:$0x0] =	sbarrier.arrive $0xFFFF;
	(pc) =	sbr.rel @p0 .LBB2_1-.Ltmp1, $4  }
0x7e: {  	[hbm:s11], [sflag:s6] =	dma.local [spmem:s17], $0x2800  }
0x7f: {  	_ =	swait.ge [sflag:s18], $0x2800  }
0x80: {  	[sflag:s18] =	ssyncset.done $0x0  }
0x81: {  	[sflag:s18] =	ssyncadd.s32 $0xFFFFD800  }
0x82: {  	_ =	sfence.sel $0x180000  }
0x83: {  	[bflag:$0x0] =	sbarrier.arrive $0xFFFF  }
0x84: {  	_ =	strace $0x9000004D  }
0x85: {  	[bflag:$0x2] =	sbarrier.arrive $0xFFFF  }
0x86: {  	p0 =	sne.s32 s1, $0x0;
	s0 =	rddreg [dreg:$0x2]  }
0x87: {  	s0 =	sadd.s32 @!p0 $0x100000, s0  }
0x88: {  	[sflag:s0] =	ssyncadd.tile.s32 @!p0 $0x1;
	_ =	shalt  }
.Lfunc_end2:
_tile_overlayer_lowered:
.L_overlay_start_2:
0x89: {  	(tag) =	ssettag $0x2  }
0x8a: {  	s0 =	rddreg [dreg:$0x0];
	s2 =	stileid.u32  }
0x8b: {  	s1 =	rddreg [dreg:$0x1];
	p0 =	sne.s32 s2, $0x0  }
0x8c: {  	s3 =	rddreg [dreg:$0x2];
	[bflag:$0x3] =	sbarrier.arrive $0xFFFF;
	s2 =	simm.s32 @!p0 $0x1C03  }
0x8d: {  	[timem:s3], [sflag:s2] =	dma.local @!p0 [hbm:s0], s1  }
0x8e: {  	s0 =	simm.s32 @!p0 $0x3  }
0x8f: {  	_ =	swait.ge @!p0 [sflag:s0], s1  }
0x90: {  	s1 =	ssub.s32 @!p0 $0x0, s1;
	[sflag:s0] =	ssyncset.done @!p0 $0x0  }
0x91: {  	[sflag:s0] =	ssyncadd.s32 @!p0 s1  }
0x92: {  	[bflag:$0x3] =	sbarrier.arrive $0xFFFF  }
0x93: {  	_ =	shalt  }

// kernel: kernel.8.cloned.1.call-start
scs
__scs_entry_jumppad:
0x0: {  	(pc) =	sbr.rel $0x88, $3  }
0x1: {  	(tag) =	ssettag $0x0;
	lr =	simm.s32 $0x1  }
0x2: {  	[smem:$0x3F94] =	sst lr;
	_ =	strace $0xD0000000  }
0x3: {  	_ = 	snop  }
0x4: {  	_ = 	snop  }
0x5: {  	_ = 	snop  }
0x6: {  	_ = 	snop  }
0x7: {  	_ = 	snop  }
__scs_overlays_trampoline_lowered:
0x8: {  	[smem:$0x3FA3] =	sst s0  }
0x9: {  	[smem:$0x3FA4] =	sst s1  }
0xa: {  	[smem:$0x3FA5] =	sst s2  }
0xb: {  	[smem:$0x3FA6] =	sst s3  }
0xc: {  	[smem:$0x3FA7] =	sst s4  }
0xd: {  	[smem:$0x3FA8] =	sst s5  }
0xe: {  	[smem:$0x3FA9] =	sst s6  }
0xf: {  	[smem:$0x3FAA] =	sst s7  }
0x10: {  	[smem:$0x3FAB] =	sst s8  }
0x11: {  	[smem:$0x3FAC] =	sst s9;
	s0 =	simm.s32 @!p0 $0x0  }
0x12: {  	s1 =	sld [smem:$0x3F92];
	s0 =	simm.s32 @p0 $0x1  }
0x13: {  	[smem:$0x3FAD] =	sst s0;
	s0 =	simm.s32 @!p1 $0x0  }
0x14: {  	s2 =	sld [smem:$0x3F91];
	s0 =	simm.s32 @p1 $0x1  }
0x15: {  	[smem:$0x3FAE] =	sst s0;
	s0 =	simm.s32 @!p2 $0x0  }
0x16: {  	s3 =	sld [smem:$0x3FDB];
	s0 =	simm.s32 @p2 $0x1  }
0x17: {  	s4 =	simm.s32 $0x1BF5;
	[smem:$0x3FB0] =	sst s0  }
0x18: {  	s0 =	sld [smem:$0x3F93];
	_ =	swait.ge [sflag:s4], $0x0  }
0x19: {  	s7 =	sld [smem:$0x3F94]  }
0x1a: {  	s8 =	sadd.s32 $0xFFFFE003, lr  }
0x1b: {  	s9 =	sadd.s32 $0xFFFFFEF7, lr;
	s5 =	simm.s32 $0xFFFFFFFF;
	p2 =	slt.u32 s8, $0xFFFFF086  }
0x1c: {  	p1 =	slt.u32 s9, $0xF7A;
	s5 =	simm.s32 @!p2 $0x0  }
0x1d: {  	s5 =	simm.s32 @p1 $0x1;
	p0 =	seq.s32 s7, s2  }
0x1e: {  	s7 =	smul.u32 @!p0 $0xF7A, s2;
	p2 =	seq.s32 @!p0 s5, $0x0  }
0x1f: {  	s9 =	smul.u32 $0xF7A, s1;
	s8 =	simm.s32 @!p0 $0x1BF5;
	p2 =	por !p2, p0  }
0x20: {  	[sflag:s8] =	ssyncset.s32 @!p0 $0xFFFFF086;
	s6 =	sadd.s32 @!p0 s3, s7;
	s7 =	simm.s32 @!p0 $0x108  }
0x21: {  	s3 =	sadd.s32 s3, s9;
	s6 =	sadd.s32 @!p0 $0x88, s6;
	s7 =	simm.s32 @p2 $0x1082  }
0x22: {  	[simem:s7], [sflag:s8] =	dma.local @!p0 [hbm:s6], $0xF7A  }
0x23: {  	s9 =	sor.u32 $0xD0000000, s2;
	s6 =	simm.s32 $0x108;
	_ =	swait.ge @!p0 [sflag:s8], $0x0  }
0x24: {  	s3 =	sadd.s32 $0x88, s3;
	s6 =	simm.s32 @!p1 $0x1082;
	[sflag:s4] =	ssyncset.s32 $0xFFFFF086  }
0x25: {  	[simem:s6], [sflag:s4] =	dma.local [hbm:s3], $0xF7A  }
0x26: {  	[smem:$0x3F94] =	sst s1;
	(tag) =	ssettag s2;
	_ =	strace s9  }
0x27: {  	s1 =	sld [smem:$0x3FA4]  }
0x28: {  	s2 =	sld [smem:$0x3FA5]  }
0x29: {  	s4 =	sld [smem:$0x3FA7]  }
0x2a: {  	p0 =	seq.s32 s5, $0x0;
	s5 =	sld [smem:$0x3FA8]  }
0x2b: {  	s6 =	sld [smem:$0x3FA9]  }
0x2c: {  	s7 =	sld [smem:$0x3FAA]  }
0x2d: {  	s3 =	simm.s32 $0x108;
	s8 =	sld [smem:$0x3FAB]  }
0x2e: {  	s3 =	simm.s32 @!p0 $0x1082;
	s9 =	sld [smem:$0x3FAC]  }
0x2f: {  	lr =	sadd.s32 s0, s3;
	s0 =	sld [smem:$0x3FA3]  }
0x30: {  	s3 =	sld [smem:$0x3FA6]  }
0x31: {  	[smem:$0x3FAF] =	sst s10  }
0x32: {  	s10 =	sld [smem:$0x3FAD];
	_ =	sdelay $0x3  }
0x33: {  	p0 =	seq.s32 s10, $0x1;
	s10 =	sld [smem:$0x3FAF];
	_ =	sdelay $0x3  }
0x34: {  	[smem:$0x3FAF] =	sst s10  }
0x35: {  	s10 =	sld [smem:$0x3FAE];
	_ =	sdelay $0x3  }
0x36: {  	p1 =	seq.s32 s10, $0x1;
	s10 =	sld [smem:$0x3FAF];
	_ =	sdelay $0x3  }
0x37: {  	[smem:$0x3FAF] =	sst s10  }
0x38: {  	s10 =	sld [smem:$0x3FB0]  }
0x39: {  	_ = 	snop;
	(pc) =	sbr.ind lr, $3  }
0x3a: {  	_ = 	snop  }
0x3b: {  	_ = 	snop  }
0x3c: {  	p2 =	seq.s32 s10, $0x1;
	s10 =	sld [smem:$0x3FAF]  }
0x3d: {  	_ =	shalt  }
0x3e: {  	_ =	shalt  }
0x3f: {  	_ =	shalt  }
0x40: {  	_ =	shalt  }
0x41: {  	_ =	shalt  }
0x42: {  	_ =	shalt  }
0x43: {  	_ =	shalt  }
0x44: {  	_ =	shalt  }
0x45: {  	_ =	shalt  }
0x46: {  	_ =	shalt  }
0x47: {  	_ =	shalt  }
0x48: {  	_ =	shalt  }
0x49: {  	_ =	shalt  }
0x4a: {  	_ =	shalt  }
0x4b: {  	_ =	shalt  }
0x4c: {  	_ =	shalt  }
0x4d: {  	_ =	shalt  }
0x4e: {  	_ =	shalt  }
0x4f: {  	_ =	shalt  }
0x50: {  	_ =	shalt  }
0x51: {  	_ =	shalt  }
0x52: {  	_ =	shalt  }
0x53: {  	_ =	shalt  }
0x54: {  	_ =	shalt  }
0x55: {  	_ =	shalt  }
0x56: {  	_ =	shalt  }
0x57: {  	_ =	shalt  }
0x58: {  	_ =	shalt  }
0x59: {  	_ =	shalt  }
0x5a: {  	_ =	shalt  }
0x5b: {  	_ =	shalt  }
0x5c: {  	_ =	shalt  }
0x5d: {  	_ =	shalt  }
0x5e: {  	_ =	shalt  }
0x5f: {  	_ =	shalt  }
0x60: {  	_ =	shalt  }
0x61: {  	_ =	shalt  }
0x62: {  	_ =	shalt  }
0x63: {  	_ =	shalt  }
0x64: {  	_ =	shalt  }
0x65: {  	_ =	shalt  }
0x66: {  	_ =	shalt  }
0x67: {  	_ =	shalt  }
0x68: {  	_ =	shalt  }
0x69: {  	_ =	shalt  }
0x6a: {  	_ =	shalt  }
0x6b: {  	_ =	shalt  }
0x6c: {  	_ =	shalt  }
0x6d: {  	_ =	shalt  }
0x6e: {  	_ =	shalt  }
0x6f: {  	_ =	shalt  }
0x70: {  	_ =	shalt  }
0x71: {  	_ =	shalt  }
0x72: {  	_ =	shalt  }
0x73: {  	_ =	shalt  }
0x74: {  	_ =	shalt  }
0x75: {  	_ =	shalt  }
0x76: {  	_ =	shalt  }
0x77: {  	_ =	shalt  }
0x78: {  	_ =	shalt  }
0x79: {  	_ =	shalt  }
0x7a: {  	_ =	shalt  }
0x7b: {  	_ =	shalt  }
0x7c: {  	_ =	shalt  }
0x7d: {  	_ =	shalt  }
0x7e: {  	_ =	shalt  }
0x7f: {  	_ =	shalt  }
0x80: {  	_ =	shalt  }
0x81: {  	_ =	shalt  }
0x82: {  	_ =	shalt  }
0x83: {  	_ =	shalt  }
0x84: {  	_ =	shalt  }
0x85: {  	_ =	shalt  }
0x86: {  	_ =	shalt  }
0x87: {  	_ =	shalt  }
.Lfunc_end0:
.L_simem_size_0:
called_computation_lowered:
.L_overlay_start_0:
0x88: {  	s2 =	sld [smem:$0x3FD9]  }
0x89: {  	s3 =	sld [smem:$0x3FFE];
	_ =	sdelay $0x1  }
0x8a: {  	s1 =	srdreg.scid  }
0x8b: {  	s0 =	sand.u32 $0x1, s1  }
0x8c: {  	s17 =	sshll.u32 s0, $0xA;
	s2 =	sadd.s32 s3, s2  }
0x8d: {  	s2 =	sadd.s32 s2, s17  }
0x8e: {  	[smem:$0x3FBB] =	sst s2  }
0x8f: {  	_ = 	snop  }
0x90: {  	s2 =	sld [smem:$0x3FD0];
	(tm) =	ssettm $0x1  }
0x91: {  	s18 =	sld [smem:$0x3FFB];
	_ =	sdelay $0x3  }
0x92: {  	_ =	strace s18  }
0x93: {  	s3 =	sld [smem:$0x3FFC];
	_ =	sdelay $0x3  }
0x94: {  	_ =	strace s3  }
0x95: {  	s3 =	sld [smem:$0x3FFD];
	_ =	sdelay $0x3  }
0x96: {  	_ =	strace s3  }
0x97: {  	_ =	strace $0x8FFFFFFF  }
0x98: {  	s19 =	sld [smem:$0x3FDB];
	_ =	sdelay $0x1  }
0x99: {  	s4 =	simm.s32 $_scs_section_size  }
0x9a: {  	s5 =	simm.s32 $_size__tile_overlayer_lowered;
	s6 =	simm.s32 $_tile_overlayer_lowered  }
0x9b: {  	s22 =	simm.s32 $0x1BFF;
	s21 =	sshll.u32 s6, $0x1;
	s3 =	sadd.s32 s4, s19  }
0x9c: {  	s7 =	simm.s32 $0x0;
	s20 =	sshll.u32 s5, $0x1;
	s5 =	sadd.s32 s21, s3  }
0x9d: {  	[timem:s7], [sflag:s22] =	dma.local [hbm:s5], s20  }
0x9e: {  	_ =	swait.ge [sflag:s22], s20  }
0x9f: {  	s4 =	ssub.s32 $0x0, s20;
	[sflag:s22] =	ssyncset.done $0x0  }
0xa0: {  	[sflag:s22] =	ssyncadd.s32 s4;
	_ =	sdelay $0x1  }
0xa1: {  	s23 =	simm.s32 $0x1B8B  }
0xa2: {  	_ =	swait.ge [sflag:s23], $0x1  }
0xa3: {  	[sflag:s23] =	ssyncset.done $0x0  }
0xa4: {  	s25 =	simm.s32 $0x1B8E;
	s24 =	sld [smem:$0x3FFE];
	[sflag:s23] =	ssyncadd.s32 $0xFFFFFFFF  }
0xa5: {  	s26 =	simm.s32 $execute0_lowered;
	[smem:$0x3FD2] =	sst s25  }
0xa6: {  	s5 =	sshll.u32 s26, $0x1;
	_ =	strace $0x80000046;
	[dreg:$0x1] =	wrdreg $0xFFFFFFFF  }
0xa7: {  	s28 =	simm.s32 $_size_execute0_lowered;
	s3 =	sadd.s32 s3, s5;
	[dreg:$0x0] =	wrdreg $0x0  }
0xa8: {  	s5 =	sshll.u32 s28, $0x1;
	[dreg:$0x2] =	wrdreg s3  }
0xa9: {  	[dreg:$0x3] =	wrdreg s5  }
0xaa: {  	[dreg:$0x4] =	wrdreg $0xC0  }
0xab: {  	_ =	task [dreg:s7], $0x5FFFF  }
0xac: {  	[dreg:$0x1] =	wrdreg $0xFFFFFFFF  }
0xad: {  	[dreg:$0x0] =	wrdreg $0x60  }
0xae: {  	[dreg:$0x2] =	wrdreg s24  }
0xaf: {  	[dreg:$0x3] =	wrdreg s2  }
0xb0: {  	[dreg:$0x4] =	wrdreg $0x0  }
0xb1: {  	[dreg:$0x5] =	wrdreg $0x9  }
0xb2: {  	_ =	task.clear_ibuf [dreg:s7], $0x6FFFF;
	_ =	strace $0x90000046  }
0xb3: {  	s29 =	simm.s32 $0x9;
	_ =	strace $0x80000048  }
0xb4: {  	_ =	swait.ge [sflag:s29], $0x1  }
0xb5: {  	[sflag:s29] =	ssyncadd.s32 $0xFFFFFFFF  }
0xb6: {  	_ =	strace $0x90000048  }
0xb7: {  	_ =	sfence  }
0xb8: {  	s30 =	sld [smem:$0x0];
	_ =	sdelay $0x2  }
0xb9: {  	s31 =	sshll.u32 s1, $0xD;
	s1 =	sshrl.u32 s1, $0x2  }
0xba: {  	s3 =	sand.u32 $0x4000, s31;
	s1 =	sadd.s32 s1, s30  }
0xbb: {  	s0 =	sor.u32 s3, s0;
	s1 =	sshll.u32 s1, $0x11  }
0xbc: {  	s0 =	sor.u32 s1, s0  }
0xbd: {  	s0 =	sadd.s32 $0x8F2B, s0  }
0xbe: {  	[sflag:s0] =	ssyncadd.remote.s32 $0x1  }
0xbf: {  	_ =	sfence.sel $0xFFFF  }
0xc0: {  	[dreg:$0x0] =	wrdreg $0xFFFFFFFF;
	(pc) =	sbr.abs _section_cstart, $3  }
0xc1: {  	[dreg:$0x1] =	wrdreg $0xFFFFFFFF  }
0xc2: {  	_ =	task.clear_ibuf [dreg:s7], $0x2FFFF;
	_ =	strace $0x9FFFFFFF  }
0xc3: {  	(tm) =	ssettm $0x7FFFFFFF  }
tec
execute0_lowered:
.L_overlay_start_1:
0x0: {  	(tag) =	ssettag $0x1  }
0x1: {  	s5 =	rddreg [dreg:$0x0]  }
0x2: {  	s1 =	rddreg [dreg:$0x1];
	s0 =	srdreg.scid  }
0x3: {  	s3 =	rddreg [dreg:$0x2];
	s2 =	stileid.u32;
	s4 =	simm.s32 $0x0  }
0x4: {  	s14 =	simm.s32 $0x80;
	s15 =	simm.s32 $0x20;
	s16 =	simm.s32 $0x10  }
0x5: {  	s6 =	sand.u32 $0x1, s0;
	s0 =	rddreg [dreg:$0x3];
	s8 =	smul.u32 $0x280, s2  }
0x6: {  	s17 =	simm.s32 $0x0;
	[smem:$0x7FF] =	sst s4;
	s9 =	smul.u32 $0x500, s2  }
0x7: {  	s31 =	sshll.u32 s2, $0x6;
	s7 =	smul.u32 $0x5000, s6;
	_ =	strace $0x80000047  }
0x8: {  	s30 =	sshll.u32 s6, $0x7;
	s6 =	ssub.s32 $0x2, s6;
	s11 =	sshrl.u32 s8, $0x3  }
0x9: {  	s12 =	sshrl.u32 s6, $0x1;
	s13 =	sadd.s32 s8, s3;
	s10 =	sadd.s32 s7, s5  }
0xa: {  	s7 =	sor.u32 s30, s9;
	s11 =	sadd.s32 s11, s5;
	s12 =	ssub.s32 s6, s12  }
0xb: {  	s6 =	sor.u32 $0x1C01, s31;
	s7 =	sshrl.u32 s7, $0x3;
	s8 =	smax.u32 s12, $0x1  }
0xc: {  	s9 =	sadd.s32 s9, s10;
	s10 =	sshrl.u32 s13, $0x3;
	s12 =	simm.s32 $0x300  }
0xd: {  	s13 =	simm.s32 $0x280;
	s7 =	sadd.s32 s7, s5;
	s5 =	sadd.s32 $0xD600, s11  }
0xe: {  	s9 =	sadd.s32 $0x3600, s9;
	s11 =	simm.s32 $0x1;
	s7 =	sadd.s32 $0xDC00, s7  }
.LBB2_1:
0xf: {  	[spmem:s10], [sflag:s6] =	dma.local [hbm:s5], $0x50  }
0x10: {  	_ =	swait.ge [sflag:s11], $0x50  }
0x11: {  	[sflag:s11] =	ssyncset.done $0x0  }
0x12: {  	[sflag:s11] =	ssyncadd.s32 $0xFFFFFFB0  }
0x13: {  	[tilespmem:s12], [sflag:$0x1] =	stream.linear.gather [hbm4b:s1+s4], $0x80, $0x38;
	[tilespmem:$0x380] =	vst v63  }
0x14: {  	_ =	swait.ge [sflag:s11], $0x80  }
0x15: {  	[sflag:s11] =	ssyncset.done $0x0  }
0x16: {  	[sflag:s11] =	ssyncadd.s32 $0xFFFFFF80  }
0x17: {  	s18 =	sadd.s32 $0x0, s9;
	[bflag:$0x0] =	sbarrier.arrive $0xFFFF  }
0x18: {  	[tilespmem:s13], [sflag:$0x1] =	stream.linear.gather [hbm4b:s18+s4], $0x80, $0x38;
	[tilespmem:$0x380] =	vst v63  }
0x19: {  	_ =	swait.ge [sflag:s11], $0x80  }
0x1a: {  	[sflag:s11] =	ssyncset.done $0x0  }
0x1b: {  	[sflag:s11] =	ssyncadd.s32 $0xFFFFFF80  }
0x1c: {  	[spmem:s3] =	stream.indirect.scatter.add.f32 [tilespmem:s12], [sflag:$0x1], $0x1, s13, s14, $0xb8;
	[tilespmem:$0x380] =	vst v63  }
0x1d: {  	_ =	swait.ge [sflag:s11], $0x80  }
0x1e: {  	s19 =	simm.s32 $0x20;
	s18 =	simm.s32 $0x10;
	[sflag:s11] =	ssyncset.done $0x0  }
.LBB2_2:
0x1f: {  	s20 =	sadd.s32 s18, s9  }
0x20: {  	[sflag:s11] =	ssyncadd.s32 $0xFFFFFF80;
	s18 =	smov.u32 s19;
	s21 =	sadd.s32 $0x10, s19  }
0x21: {  	[tilespmem:s13], [sflag:$0x1] =	stream.linear.gather [hbm4b:s20+s4], $0x80, $0x38;
	[tilespmem:$0x380] =	vst v63  }
0x22: {  	p0 =	sne.s32 s19, $0x4F0;
	_ =	swait.ge [sflag:s11], $0x80  }
.Ltmp0:
0x23: {  	[sflag:s11] =	ssyncset.done $0x0;
	(pc) =	sbr.rel @p0 .LBB2_2-.Ltmp0, $4  }
0x24: {  	[sflag:s11] =	ssyncadd.s32 $0xFFFFFF80  }
0x25: {  	[spmem:s3] =	stream.indirect.scatter.add.f32 [tilespmem:s12], [sflag:$0x1], $0x1, s13, s14, $0xb8;
	[tilespmem:$0x380] =	vst v63  }
0x26: {  	_ =	swait.ge [sflag:s11], $0x80  }
0x27: {  	s19 =	smov.u32 s21;
	[sflag:s11] =	ssyncset.done $0x0  }
0x28: {  	s18 =	sadd.s32 s18, s9;
	[sflag:s11] =	ssyncadd.s32 $0xFFFFFF80  }
0x29: {  	[tilespmem:s13], [sflag:$0x1] =	stream.linear.gather [hbm4b:s18+s4], $0x80, $0x38;
	[tilespmem:$0x380] =	vst v63  }
0x2a: {  	_ =	swait.ge [sflag:s11], $0x80  }
0x2b: {  	[sflag:s11] =	ssyncset.done $0x0  }
0x2c: {  	[sflag:s11] =	ssyncadd.s32 $0xFFFFFF80  }
0x2d: {  	[spmem:s3] =	stream.indirect.scatter.add.f32 [tilespmem:s12], [sflag:$0x1], $0x1, s13, s14, $0xb8;
	[tilespmem:$0x380] =	vst v63  }
0x2e: {  	_ =	swait.ge [sflag:s11], $0x80  }
0x2f: {  	s17 =	sadd.s32 $0x1, s17;
	[sflag:s11] =	ssyncset.done $0x0  }
0x30: {  	p0 =	sne.s32 s17, s8;
	[sflag:s11] =	ssyncadd.s32 $0xFFFFFF80  }
.Ltmp1:
0x31: {  	[bflag:$0x0] =	sbarrier.arrive $0xFFFF;
	(pc) =	sbr.rel @p0 .LBB2_1-.Ltmp1, $4  }
0x32: {  	[hbm:s7@s15], [sflag:s6] =	dma.strided [spmem:s10@s16], $0x50, s11, $0x10   }
0x33: {  	_ =	swait.ge [sflag:s11], $0x50  }
0x34: {  	[sflag:s11] =	ssyncset.done $0x0  }
0x35: {  	[sflag:s11] =	ssyncadd.s32 $0xFFFFFFB0  }
0x36: {  	_ =	sfence.sel $0x180000  }
0x37: {  	[bflag:$0x0] =	sbarrier.arrive $0xFFFF  }
0x38: {  	p0 =	sne.s32 s2, $0x0;
	_ =	strace $0x90000047  }
0x39: {  	s0 =	sadd.s32 @!p0 $0x100000, s0;
	[bflag:$0x2] =	sbarrier.arrive $0xFFFF  }
0x3a: {  	[sflag:s0] =	ssyncadd.tile.s32 @!p0 $0x1;
	_ =	shalt  }
.Lfunc_end2:
_tile_overlayer_lowered:
.L_overlay_start_2:
0x3b: {  	(tag) =	ssettag $0x2  }
0x3c: {  	s0 =	rddreg [dreg:$0x0];
	s2 =	stileid.u32  }
0x3d: {  	s1 =	rddreg [dreg:$0x1];
	p0 =	sne.s32 s2, $0x0  }
0x3e: {  	s3 =	rddreg [dreg:$0x2];
	[bflag:$0x3] =	sbarrier.arrive $0xFFFF;
	s2 =	simm.s32 @!p0 $0x1C01  }
0x3f: {  	[timem:s3], [sflag:s2] =	dma.local @!p0 [hbm:s0], s1  }
0x40: {  	s0 =	simm.s32 @!p0 $0x1  }
0x41: {  	_ =	swait.ge @!p0 [sflag:s0], s1  }
0x42: {  	s1 =	ssub.s32 @!p0 $0x0, s1;
	[sflag:s0] =	ssyncset.done @!p0 $0x0  }
0x43: {  	[sflag:s0] =	ssyncadd.s32 @!p0 s1  }
0x44: {  	[bflag:$0x3] =	sbarrier.arrive $0xFFFF  }
0x45: {  	_ =	shalt  }

</sc_bundles>
